<compile_context>
chip_gen: v7x
topology: tpu7x:2x2x1
jax: 0.10.2.dev20260603
libtpu: 0.0.44.dev20260713+nightly
codegen_flags: <defaults>
</compile_context>

<pallas_src>
import functools

import jax
import jax.numpy as jnp
from jax import lax
from jax.experimental import pallas as pl
from jax.experimental.pallas import tpu as pltpu
from jax.experimental.pallas import tpu_sc as plsc

B = 4096
L = 200
EMB = 64
NC = 2
NS = 16
NW = NC * NS
ROWS_PER_W = B // NW
CH0 = 104
CH1 = L - CH0
NBUF = 4


def _pooled_sums(emb_table, idx):
    mesh = plsc.VectorSubcoreMesh(core_axis_name="c", subcore_axis_name="s")

    @functools.partial(
        pl.kernel,
        out_type=jax.ShapeDtypeStruct((B, EMB), jnp.float32),
        mesh=mesh,
        compiler_params=pltpu.CompilerParams(use_tc_tiling_on_sc=False),
        scratch_types=[
            pltpu.VMEM((ROWS_PER_W, L), jnp.int32),
            pltpu.VMEM((NBUF, L, EMB), jnp.float32),
            pltpu.VMEM((ROWS_PER_W, EMB), jnp.float32),
        ] + [pltpu.SemaphoreType.DMA] * NBUF,
    )
    def sc_kernel(table_hbm, idx_hbm, out_hbm, idx_v, rows_v, out_v, *sems):
        wid = lax.axis_index("s") * NC + lax.axis_index("c")
        base = wid * ROWS_PER_W
        pltpu.sync_copy(idx_hbm.at[pl.ds(base, ROWS_PER_W)], idx_v)

        def start(r, slot):
            pltpu.async_copy(
                table_hbm.at[idx_v.at[r, pl.ds(0, CH0)]],
                rows_v.at[slot, pl.ds(0, CH0)], sems[slot])
            pltpu.async_copy(
                table_hbm.at[idx_v.at[r, pl.ds(CH0, CH1)]],
                rows_v.at[slot, pl.ds(CH0, CH1)], sems[slot])

        def wait(slot):
            pltpu.make_async_copy(
                table_hbm.at[pl.ds(0, L)], rows_v.at[slot],
                sems[slot]).wait()

        def accum(r, slot):
            def body(i, acc):
                return tuple(
                    acc[c] + rows_v[slot, i, pl.ds(c * 16, 16)]
                    for c in range(4))

            z = jnp.zeros((16,), jnp.float32)
            a = lax.fori_loop(0, L, body, (z, z, z, z), unroll=8)
            for c in range(4):
                out_v[r, pl.ds(c * 16, 16)] = a[c]

        for b in range(NBUF):
            start(b, b)

        @pl.loop(0, ROWS_PER_W, step=NBUF)
        def _(r):
            for b in range(NBUF):
                wait(b)
                accum(r + b, b)

                @pl.when(r + b + NBUF < ROWS_PER_W)
                def _():
                    start(r + b + NBUF, b)

        pltpu.sync_copy(out_v, out_hbm.at[pl.ds(base, ROWS_PER_W)])

    return sc_kernel(emb_table, idx)


def _bn(x, gamma, beta, eps=1e-5):
    n = x.shape[0]
    s1 = jnp.sum(x, axis=0)
    s2 = jnp.sum(x * x, axis=0)
    mean = s1 * (1.0 / n)
    var = s2 * (1.0 / n) - mean * mean
    return gamma * (x - mean) / jnp.sqrt(var + eps) + beta


def _cat_body(ts_ref, cat_ref, catW_ref, catb_ref, bg_ref, bb_ref, W1b_ref,
              b1_ref, hcat_ref, cnt_ref):
    hp = lax.Precision.HIGHEST
    cnt_ref[...] = jnp.sum((ts_ref[...] != 0).astype(jnp.float32), axis=1,
                           keepdims=True)
    cat = jnp.dot(cat_ref[...], catW_ref[...], precision=hp) + catb_ref[...]
    cat = jax.nn.relu(_bn(cat, bg_ref[...], bb_ref[...]))
    hcat_ref[...] = (jnp.dot(cat, W1b_ref[...], precision=hp) + b1_ref[...])


def _final_body(pooled_ref, hcat_ref, cnt_ref, W1a_ref, g1_ref, be1_ref,
                W2_ref, b2_ref, g2_ref, be2_ref, W3_ref, b3_ref, out_ref):
    hp = lax.Precision.HIGHEST
    text_feat = pooled_ref[...] / (cnt_ref[...] + 1e-9)
    h = jnp.dot(text_feat, W1a_ref[...], precision=hp) + hcat_ref[...]
    h = jax.nn.relu(_bn(h, g1_ref[...], be1_ref[...]))
    h = jnp.dot(h, W2_ref[...], precision=hp) + b2_ref[...]
    h = jax.nn.relu(_bn(h, g2_ref[...], be2_ref[...]))
    out_ref[...] = jnp.dot(h, W3_ref[...], precision=hp) + b3_ref[...]


def kernel(text_seq, cat_features, emb_table, cat_W, cat_b, bn_cat_g,
           bn_cat_b, W1, b1, g1, be1, W2, b2, g2, be2, W3, b3):
    idx = text_seq.astype(jnp.int32)
    pooled = _pooled_sums(emb_table, idx)

    row = lambda v: v.reshape(1, -1)
    hcat, cnt = pl.pallas_call(
        _cat_body,
        out_shape=(jax.ShapeDtypeStruct((B, 256), jnp.float32),
                   jax.ShapeDtypeStruct((B, 1), jnp.float32)),
    )(idx, cat_features, cat_W, row(cat_b), row(bn_cat_g), row(bn_cat_b),
      W1[EMB:], row(b1))

    out = pl.pallas_call(
        _final_body,
        out_shape=jax.ShapeDtypeStruct((B, 1), jnp.float32),
    )(pooled, hcat, cnt, W1[:EMB], row(g1), row(be1), W2, row(b2), row(g2),
      row(be2), W3, row(b3))
    return out

# --- scband reference (transcript-rebuilt; emitter-appended) ---
"""Pipeline reference for scband-self-taught-nn-55731495633297 (READ-ONLY COPY).

The authoritative reference and input builder live on the scoring server;
editing this copy changes nothing except your own understanding.
"""

import jax, jax.numpy as jnp
import numpy as np

VOCAB = 100000
EMB = 64
CAT_DIM = 26
CAT_HID = 128
REG_HID = 256
B = 4096
L = 200


def _bn(x, gamma, beta, eps=1e-5):
    mean = jnp.mean(x, axis=0)
    var = jnp.var(x, axis=0)
    return gamma * (x - mean) / jnp.sqrt(var + eps) + beta


def setup_inputs(seed: int = 0) -> dict:
    key = jax.random.key(seed)
    ks = jax.random.split(key, 16)
    text_seq = jax.random.randint(ks[0], (B, L), 0, VOCAB, dtype=jnp.int64 if jax.config.jax_enable_x64 else jnp.int32)
    cat_features = jax.random.normal(ks[1], (B, CAT_DIM), dtype=jnp.float32)
    emb_table = jax.random.normal(ks[2], (VOCAB, EMB), dtype=jnp.float32) * 0.02
    emb_table = emb_table.at[0].set(0.0)  # padding_idx=0
    cat_W = jax.random.normal(ks[3], (CAT_DIM, CAT_HID), dtype=jnp.float32) * (1.0 / np.sqrt(CAT_DIM))
    cat_b = jnp.zeros((CAT_HID,), dtype=jnp.float32)
    bn_cat_g = jnp.ones((CAT_HID,), dtype=jnp.float32)
    bn_cat_b = jnp.zeros((CAT_HID,), dtype=jnp.float32)
    D_IN = EMB + CAT_HID
    W1 = jax.random.normal(ks[4], (D_IN, REG_HID), dtype=jnp.float32) * (1.0 / np.sqrt(D_IN))
    b1 = jnp.zeros((REG_HID,), dtype=jnp.float32)
    g1 = jnp.ones((REG_HID,), dtype=jnp.float32)
    be1 = jnp.zeros((REG_HID,), dtype=jnp.float32)
    W2 = jax.random.normal(ks[5], (REG_HID, REG_HID // 2), dtype=jnp.float32) * (1.0 / np.sqrt(REG_HID))
    b2 = jnp.zeros((REG_HID // 2,), dtype=jnp.float32)
    g2 = jnp.ones((REG_HID // 2,), dtype=jnp.float32)
    be2 = jnp.zeros((REG_HID // 2,), dtype=jnp.float32)
    W3 = jax.random.normal(ks[6], (REG_HID // 2, 1), dtype=jnp.float32) * (1.0 / np.sqrt(REG_HID // 2))
    b3 = jnp.zeros((1,), dtype=jnp.float32)
    return {
        "text_seq": text_seq, "cat_features": cat_features,
        "emb_table": emb_table, "cat_W": cat_W, "cat_b": cat_b,
        "bn_cat_g": bn_cat_g, "bn_cat_b": bn_cat_b,
        "W1": W1, "b1": b1, "g1": g1, "be1": be1,
        "W2": W2, "b2": b2, "g2": g2, "be2": be2,
        "W3": W3, "b3": b3,
    }


def reference(text_seq, cat_features, emb_table, cat_W, cat_b, bn_cat_g, bn_cat_b,
              W1, b1, g1, be1, W2, b2, g2, be2, W3, b3):
    # embedding gather (SparseCore-mappable)
    text_emb = jnp.take(emb_table, text_seq, axis=0)  # [B, L, EMB]
    text_mask = (text_seq != 0)[..., None].astype(jnp.float32)
    text_feat = (text_emb * text_mask).sum(axis=1) / (text_mask.sum(axis=1) + 1e-09)
    cat_feat = cat_features @ cat_W + cat_b
    cat_feat = jax.nn.relu(_bn(cat_feat, bn_cat_g, bn_cat_b))
    combined = jnp.concatenate([text_feat, cat_feat], axis=1)
    h = jax.nn.relu(_bn(combined @ W1 + b1, g1, be1))
    h = jax.nn.relu(_bn(h @ W2 + b2, g2, be2))
    out = h @ W3 + b3
    return out

if __name__ == "__main__":
    import jax
    _d = setup_inputs()
    print(jax.jit(kernel)(*tuple(_d.values())))

</pallas_src>

<mosaic_0001>
#map = affine_map<(d0, d1) -> (0, 0)>
module attributes {stable_mosaic.version = 14 : i64} {
  func.func @sc_kernel(%arg0: i32, %arg1: i32, %arg2: memref<100000x64xf32, #tpu.memory_space<hbm>>, %arg3: memref<4096x200xi32, #tpu.memory_space<hbm>>, %arg4: memref<4096x64xf32, #tpu.memory_space<hbm>>, %arg5: memref<128x200xi32, #tpu.memory_space<vmem>>, %arg6: memref<4x200x64xf32, #tpu.memory_space<vmem>>, %arg7: memref<128x64xf32, #tpu.memory_space<vmem>>, %arg8: memref<!tpu.dma_semaphore, #tpu.memory_space<semaphore_mem>>, %arg9: memref<!tpu.dma_semaphore, #tpu.memory_space<semaphore_mem>>, %arg10: memref<!tpu.dma_semaphore, #tpu.memory_space<semaphore_mem>>, %arg11: memref<!tpu.dma_semaphore, #tpu.memory_space<semaphore_mem>>) attributes {dimension_semantics = [#tpu.dimension_semantics<core_parallel>, #tpu.dimension_semantics<subcore_parallel>], iteration_bounds = array<i64: 2, 16>, scalar_prefetch = 0 : i64, scratch_operands = 7 : i64, tpu.core_type = #tpu.core_type<sc_vector_subcore>, window_params = [{transform_indices = #map}, {transform_indices = #map}, {transform_indices = #map}]} {
    %mul3A = arith.constant 2 : i32
    %mul3A_0 = arith.muli %arg1, %mul3A : i32
    %add3A = arith.addi %mul3A_0, %arg0 : i32
    %mul3A_1 = arith.constant 128 : i32
    %mul3A_2 = arith.muli %add3A, %mul3A_1 : i32
    "tpu.region"() ({
      %run_scoped3A = tpu.sem_alloc : memref<!tpu.dma_semaphore, #tpu.memory_space<semaphore_mem>>
      %dma_start3A_102 = arith.constant 0 : i32
      %dma_start3A_103 = tpu.memref_slice %arg3[%mul3A_2, %dma_start3A_102] : memref<4096x200xi32, #tpu.memory_space<hbm>> -> memref<128x200xi32, #tpu.memory_space<hbm>>
      %dma_start3A_104 = arith.constant 0 : i32
      %dma_start3A_105 = tpu.memref_slice %arg3[%mul3A_2, %dma_start3A_104] : memref<4096x200xi32, #tpu.memory_space<hbm>> -> memref<128x200xi32, #tpu.memory_space<hbm>>
      tpu.enqueue_dma source(%dma_start3A_105 : memref<128x200xi32, #tpu.memory_space<hbm>>) target(%arg5 : memref<128x200xi32, #tpu.memory_space<vmem>>) target_semaphore(%run_scoped3A : memref<!tpu.dma_semaphore, #tpu.memory_space<semaphore_mem>>)
      %dma_wait3A = arith.constant 0 : i32
      %dma_wait3A_106 = tpu.memref_slice %arg3[%mul3A_2, %dma_wait3A] : memref<4096x200xi32, #tpu.memory_space<hbm>> -> memref<128x200xi32, #tpu.memory_space<hbm>>
      %dma_wait3A_107 = arith.constant 0 : i32
      %dma_wait3A_108 = tpu.memref_slice %arg3[%mul3A_2, %dma_wait3A_107] : memref<4096x200xi32, #tpu.memory_space<hbm>> -> memref<128x200xi32, #tpu.memory_space<hbm>>
      tpu.wait_dma2 semaphore(%run_scoped3A : memref<!tpu.dma_semaphore, #tpu.memory_space<semaphore_mem>>) src(%dma_wait3A_108 : memref<128x200xi32, #tpu.memory_space<hbm>>) dst(%arg5 : memref<128x200xi32, #tpu.memory_space<vmem>>)
      tpu.yield
    }) : () -> ()
    %dma_start3A = arith.constant 0 : i32
    %dma_start3A_3 = arith.constant 0 : i32
    %dma_start3A_4 = arith.constant 0 : i32
    %dma_start3A_5 = arith.constant 0 : i32
    %dma_start3A_6 = tpu.memref_slice %arg6[%dma_start3A_3, %dma_start3A_4, %dma_start3A_5] : memref<4x200x64xf32, #tpu.memory_space<vmem>> -> memref<1x104x64xf32, #tpu.memory_space<vmem>>
    %dma_start3A_7 = tpu.memref_squeeze %dma_start3A_6 : memref<1x104x64xf32, #tpu.memory_space<vmem>> -> memref<104x64xf32, #tpu.memory_space<vmem>>
    %dma_start3A_8 = arith.constant 0 : i32
    %dma_start3A_9 = tpu.memref_slice %arg5[%dma_start3A, %dma_start3A_8] : memref<128x200xi32, #tpu.memory_space<vmem>> -> memref<1x104xi32, #tpu.memory_space<vmem>>
    %dma_start3A_10 = tpu.memref_squeeze %dma_start3A_9 : memref<1x104xi32, #tpu.memory_space<vmem>> -> memref<104xi32, #tpu.memory_space<vmem>>
    %dma_start3A_11 = arith.constant 0 : i32
    %dma_start3A_12 = arith.constant 0 : i32
    %dma_start3A_13 = tpu.memref_slice %arg2[%dma_start3A_11, %dma_start3A_12] : memref<100000x64xf32, #tpu.memory_space<hbm>> -> memref<100000x64xf32, #tpu.memory_space<hbm>>
    tpu.enqueue_indirect_dma source(%dma_start3A_13 : memref<100000x64xf32, #tpu.memory_space<hbm>>) target(%dma_start3A_7 : memref<104x64xf32, #tpu.memory_space<vmem>>) offsets(%dma_start3A_10 : memref<104xi32, #tpu.memory_space<vmem>>) semaphore(%arg8 : memref<!tpu.dma_semaphore, #tpu.memory_space<semaphore_mem>>)
    %dma_start3A_14 = arith.constant 0 : i32
    %dma_start3A_15 = arith.constant 0 : i32
    %dma_start3A_16 = arith.constant 104 : i32
    %dma_start3A_17 = arith.constant 0 : i32
    %dma_start3A_18 = tpu.memref_slice %arg6[%dma_start3A_15, %dma_start3A_16, %dma_start3A_17] : memref<4x200x64xf32, #tpu.memory_space<vmem>> -> memref<1x96x64xf32, #tpu.memory_space<vmem>>
    %dma_start3A_19 = tpu.memref_squeeze %dma_start3A_18 : memref<1x96x64xf32, #tpu.memory_space<vmem>> -> memref<96x64xf32, #tpu.memory_space<vmem>>
    %dma_start3A_20 = arith.constant 104 : i32
    %dma_start3A_21 = tpu.memref_slice %arg5[%dma_start3A_14, %dma_start3A_20] : memref<128x200xi32, #tpu.memory_space<vmem>> -> memref<1x96xi32, #tpu.memory_space<vmem>>
    %dma_start3A_22 = tpu.memref_squeeze %dma_start3A_21 : memref<1x96xi32, #tpu.memory_space<vmem>> -> memref<96xi32, #tpu.memory_space<vmem>>
    %dma_start3A_23 = arith.constant 0 : i32
    %dma_start3A_24 = arith.constant 0 : i32
    %dma_start3A_25 = tpu.memref_slice %arg2[%dma_start3A_23, %dma_start3A_24] : memref<100000x64xf32, #tpu.memory_space<hbm>> -> memref<100000x64xf32, #tpu.memory_space<hbm>>
    tpu.enqueue_indirect_dma source(%dma_start3A_25 : memref<100000x64xf32, #tpu.memory_space<hbm>>) target(%dma_start3A_19 : memref<96x64xf32, #tpu.memory_space<vmem>>) offsets(%dma_start3A_22 : memref<96xi32, #tpu.memory_space<vmem>>) semaphore(%arg8 : memref<!tpu.dma_semaphore, #tpu.memory_space<semaphore_mem>>)
    %dma_start3A_26 = arith.constant 1 : i32
    %dma_start3A_27 = arith.constant 1 : i32
    %dma_start3A_28 = arith.constant 0 : i32
    %dma_start3A_29 = arith.constant 0 : i32
    %dma_start3A_30 = tpu.memref_slice %arg6[%dma_start3A_27, %dma_start3A_28, %dma_start3A_29] : memref<4x200x64xf32, #tpu.memory_space<vmem>> -> memref<1x104x64xf32, #tpu.memory_space<vmem>>
    %dma_start3A_31 = tpu.memref_squeeze %dma_start3A_30 : memref<1x104x64xf32, #tpu.memory_space<vmem>> -> memref<104x64xf32, #tpu.memory_space<vmem>>
    %dma_start3A_32 = arith.constant 0 : i32
    %dma_start3A_33 = tpu.memref_slice %arg5[%dma_start3A_26, %dma_start3A_32] : memref<128x200xi32, #tpu.memory_space<vmem>> -> memref<1x104xi32, #tpu.memory_space<vmem>>
    %dma_start3A_34 = tpu.memref_squeeze %dma_start3A_33 : memref<1x104xi32, #tpu.memory_space<vmem>> -> memref<104xi32, #tpu.memory_space<vmem>>
    %dma_start3A_35 = arith.constant 0 : i32
    %dma_start3A_36 = arith.constant 0 : i32
    %dma_start3A_37 = tpu.memref_slice %arg2[%dma_start3A_35, %dma_start3A_36] : memref<100000x64xf32, #tpu.memory_space<hbm>> -> memref<100000x64xf32, #tpu.memory_space<hbm>>
    tpu.enqueue_indirect_dma source(%dma_start3A_37 : memref<100000x64xf32, #tpu.memory_space<hbm>>) target(%dma_start3A_31 : memref<104x64xf32, #tpu.memory_space<vmem>>) offsets(%dma_start3A_34 : memref<104xi32, #tpu.memory_space<vmem>>) semaphore(%arg9 : memref<!tpu.dma_semaphore, #tpu.memory_space<semaphore_mem>>)
    %dma_start3A_38 = arith.constant 1 : i32
    %dma_start3A_39 = arith.constant 1 : i32
    %dma_start3A_40 = arith.constant 104 : i32
    %dma_start3A_41 = arith.constant 0 : i32
    %dma_start3A_42 = tpu.memref_slice %arg6[%dma_start3A_39, %dma_start3A_40, %dma_start3A_41] : memref<4x200x64xf32, #tpu.memory_space<vmem>> -> memref<1x96x64xf32, #tpu.memory_space<vmem>>
    %dma_start3A_43 = tpu.memref_squeeze %dma_start3A_42 : memref<1x96x64xf32, #tpu.memory_space<vmem>> -> memref<96x64xf32, #tpu.memory_space<vmem>>
    %dma_start3A_44 = arith.constant 104 : i32
    %dma_start3A_45 = tpu.memref_slice %arg5[%dma_start3A_38, %dma_start3A_44] : memref<128x200xi32, #tpu.memory_space<vmem>> -> memref<1x96xi32, #tpu.memory_space<vmem>>
    %dma_start3A_46 = tpu.memref_squeeze %dma_start3A_45 : memref<1x96xi32, #tpu.memory_space<vmem>> -> memref<96xi32, #tpu.memory_space<vmem>>
    %dma_start3A_47 = arith.constant 0 : i32
    %dma_start3A_48 = arith.constant 0 : i32
    %dma_start3A_49 = tpu.memref_slice %arg2[%dma_start3A_47, %dma_start3A_48] : memref<100000x64xf32, #tpu.memory_space<hbm>> -> memref<100000x64xf32, #tpu.memory_space<hbm>>
    tpu.enqueue_indirect_dma source(%dma_start3A_49 : memref<100000x64xf32, #tpu.memory_space<hbm>>) target(%dma_start3A_43 : memref<96x64xf32, #tpu.memory_space<vmem>>) offsets(%dma_start3A_46 : memref<96xi32, #tpu.memory_space<vmem>>) semaphore(%arg9 : memref<!tpu.dma_semaphore, #tpu.memory_space<semaphore_mem>>)
    %dma_start3A_50 = arith.constant 2 : i32
    %dma_start3A_51 = arith.constant 2 : i32
    %dma_start3A_52 = arith.constant 0 : i32
    %dma_start3A_53 = arith.constant 0 : i32
    %dma_start3A_54 = tpu.memref_slice %arg6[%dma_start3A_51, %dma_start3A_52, %dma_start3A_53] : memref<4x200x64xf32, #tpu.memory_space<vmem>> -> memref<1x104x64xf32, #tpu.memory_space<vmem>>
    %dma_start3A_55 = tpu.memref_squeeze %dma_start3A_54 : memref<1x104x64xf32, #tpu.memory_space<vmem>> -> memref<104x64xf32, #tpu.memory_space<vmem>>
    %dma_start3A_56 = arith.constant 0 : i32
    %dma_start3A_57 = tpu.memref_slice %arg5[%dma_start3A_50, %dma_start3A_56] : memref<128x200xi32, #tpu.memory_space<vmem>> -> memref<1x104xi32, #tpu.memory_space<vmem>>
    %dma_start3A_58 = tpu.memref_squeeze %dma_start3A_57 : memref<1x104xi32, #tpu.memory_space<vmem>> -> memref<104xi32, #tpu.memory_space<vmem>>
    %dma_start3A_59 = arith.constant 0 : i32
    %dma_start3A_60 = arith.constant 0 : i32
    %dma_start3A_61 = tpu.memref_slice %arg2[%dma_start3A_59, %dma_start3A_60] : memref<100000x64xf32, #tpu.memory_space<hbm>> -> memref<100000x64xf32, #tpu.memory_space<hbm>>
    tpu.enqueue_indirect_dma source(%dma_start3A_61 : memref<100000x64xf32, #tpu.memory_space<hbm>>) target(%dma_start3A_55 : memref<104x64xf32, #tpu.memory_space<vmem>>) offsets(%dma_start3A_58 : memref<104xi32, #tpu.memory_space<vmem>>) semaphore(%arg10 : memref<!tpu.dma_semaphore, #tpu.memory_space<semaphore_mem>>)
    %dma_start3A_62 = arith.constant 2 : i32
    %dma_start3A_63 = arith.constant 2 : i32
    %dma_start3A_64 = arith.constant 104 : i32
    %dma_start3A_65 = arith.constant 0 : i32
    %dma_start3A_66 = tpu.memref_slice %arg6[%dma_start3A_63, %dma_start3A_64, %dma_start3A_65] : memref<4x200x64xf32, #tpu.memory_space<vmem>> -> memref<1x96x64xf32, #tpu.memory_space<vmem>>
    %dma_start3A_67 = tpu.memref_squeeze %dma_start3A_66 : memref<1x96x64xf32, #tpu.memory_space<vmem>> -> memref<96x64xf32, #tpu.memory_space<vmem>>
    %dma_start3A_68 = arith.constant 104 : i32
    %dma_start3A_69 = tpu.memref_slice %arg5[%dma_start3A_62, %dma_start3A_68] : memref<128x200xi32, #tpu.memory_space<vmem>> -> memref<1x96xi32, #tpu.memory_space<vmem>>
    %dma_start3A_70 = tpu.memref_squeeze %dma_start3A_69 : memref<1x96xi32, #tpu.memory_space<vmem>> -> memref<96xi32, #tpu.memory_space<vmem>>
    %dma_start3A_71 = arith.constant 0 : i32
    %dma_start3A_72 = arith.constant 0 : i32
    %dma_start3A_73 = tpu.memref_slice %arg2[%dma_start3A_71, %dma_start3A_72] : memref<100000x64xf32, #tpu.memory_space<hbm>> -> memref<100000x64xf32, #tpu.memory_space<hbm>>
    tpu.enqueue_indirect_dma source(%dma_start3A_73 : memref<100000x64xf32, #tpu.memory_space<hbm>>) target(%dma_start3A_67 : memref<96x64xf32, #tpu.memory_space<vmem>>) offsets(%dma_start3A_70 : memref<96xi32, #tpu.memory_space<vmem>>) semaphore(%arg10 : memref<!tpu.dma_semaphore, #tpu.memory_space<semaphore_mem>>)
    %dma_start3A_74 = arith.constant 3 : i32
    %dma_start3A_75 = arith.constant 3 : i32
    %dma_start3A_76 = arith.constant 0 : i32
    %dma_start3A_77 = arith.constant 0 : i32
    %dma_start3A_78 = tpu.memref_slice %arg6[%dma_start3A_75, %dma_start3A_76, %dma_start3A_77] : memref<4x200x64xf32, #tpu.memory_space<vmem>> -> memref<1x104x64xf32, #tpu.memory_space<vmem>>
    %dma_start3A_79 = tpu.memref_squeeze %dma_start3A_78 : memref<1x104x64xf32, #tpu.memory_space<vmem>> -> memref<104x64xf32, #tpu.memory_space<vmem>>
    %dma_start3A_80 = arith.constant 0 : i32
    %dma_start3A_81 = tpu.memref_slice %arg5[%dma_start3A_74, %dma_start3A_80] : memref<128x200xi32, #tpu.memory_space<vmem>> -> memref<1x104xi32, #tpu.memory_space<vmem>>
    %dma_start3A_82 = tpu.memref_squeeze %dma_start3A_81 : memref<1x104xi32, #tpu.memory_space<vmem>> -> memref<104xi32, #tpu.memory_space<vmem>>
    %dma_start3A_83 = arith.constant 0 : i32
    %dma_start3A_84 = arith.constant 0 : i32
    %dma_start3A_85 = tpu.memref_slice %arg2[%dma_start3A_83, %dma_start3A_84] : memref<100000x64xf32, #tpu.memory_space<hbm>> -> memref<100000x64xf32, #tpu.memory_space<hbm>>
    tpu.enqueue_indirect_dma source(%dma_start3A_85 : memref<100000x64xf32, #tpu.memory_space<hbm>>) target(%dma_start3A_79 : memref<104x64xf32, #tpu.memory_space<vmem>>) offsets(%dma_start3A_82 : memref<104xi32, #tpu.memory_space<vmem>>) semaphore(%arg11 : memref<!tpu.dma_semaphore, #tpu.memory_space<semaphore_mem>>)
    %dma_start3A_86 = arith.constant 3 : i32
    %dma_start3A_87 = arith.constant 3 : i32
    %dma_start3A_88 = arith.constant 104 : i32
    %dma_start3A_89 = arith.constant 0 : i32
    %dma_start3A_90 = tpu.memref_slice %arg6[%dma_start3A_87, %dma_start3A_88, %dma_start3A_89] : memref<4x200x64xf32, #tpu.memory_space<vmem>> -> memref<1x96x64xf32, #tpu.memory_space<vmem>>
    %dma_start3A_91 = tpu.memref_squeeze %dma_start3A_90 : memref<1x96x64xf32, #tpu.memory_space<vmem>> -> memref<96x64xf32, #tpu.memory_space<vmem>>
    %dma_start3A_92 = arith.constant 104 : i32
    %dma_start3A_93 = tpu.memref_slice %arg5[%dma_start3A_86, %dma_start3A_92] : memref<128x200xi32, #tpu.memory_space<vmem>> -> memref<1x96xi32, #tpu.memory_space<vmem>>
    %dma_start3A_94 = tpu.memref_squeeze %dma_start3A_93 : memref<1x96xi32, #tpu.memory_space<vmem>> -> memref<96xi32, #tpu.memory_space<vmem>>
    %dma_start3A_95 = arith.constant 0 : i32
    %dma_start3A_96 = arith.constant 0 : i32
    %dma_start3A_97 = tpu.memref_slice %arg2[%dma_start3A_95, %dma_start3A_96] : memref<100000x64xf32, #tpu.memory_space<hbm>> -> memref<100000x64xf32, #tpu.memory_space<hbm>>
    tpu.enqueue_indirect_dma source(%dma_start3A_97 : memref<100000x64xf32, #tpu.memory_space<hbm>>) target(%dma_start3A_91 : memref<96x64xf32, #tpu.memory_space<vmem>>) offsets(%dma_start3A_94 : memref<96xi32, #tpu.memory_space<vmem>>) semaphore(%arg11 : memref<!tpu.dma_semaphore, #tpu.memory_space<semaphore_mem>>)
    %scan3A = arith.constant 0 : i32
    %scan3A_98 = arith.constant 32 : i32
    %scan3A_99 = arith.addi %scan3A, %scan3A_98 : i32
    %scan3A_100 = arith.constant 1 : i32
    scf.for %scan3A_102 = %scan3A to %scan3A_99 step %scan3A_100  : i32 {
      %mul3A_103 = arith.constant 4 : i32
      %mul3A_104 = arith.muli %scan3A_102, %mul3A_103 : i32
      %add3A_105 = arith.constant 0 : i32
      %add3A_106 = arith.addi %add3A_105, %mul3A_104 : i32
      %dma_wait3A = arith.constant 0 : i32
      %dma_wait3A_107 = arith.constant 0 : i32
      %dma_wait3A_108 = arith.constant 0 : i32
      %dma_wait3A_109 = tpu.memref_slice %arg6[%dma_wait3A, %dma_wait3A_107, %dma_wait3A_108] : memref<4x200x64xf32, #tpu.memory_space<vmem>> -> memref<1x200x64xf32, #tpu.memory_space<vmem>>
      %dma_wait3A_110 = tpu.memref_squeeze %dma_wait3A_109 : memref<1x200x64xf32, #tpu.memory_space<vmem>> -> memref<200x64xf32, #tpu.memory_space<vmem>>
      %dma_wait3A_111 = arith.constant 0 : i32
      %dma_wait3A_112 = arith.constant 0 : i32
      %dma_wait3A_113 = tpu.memref_slice %arg2[%dma_wait3A_111, %dma_wait3A_112] : memref<100000x64xf32, #tpu.memory_space<hbm>> -> memref<200x64xf32, #tpu.memory_space<hbm>>
      %dma_wait3A_114 = arith.constant 0 : i32
      %dma_wait3A_115 = arith.constant 0 : i32
      %dma_wait3A_116 = tpu.memref_slice %arg6[%dma_wait3A, %dma_wait3A_114, %dma_wait3A_115] : memref<4x200x64xf32, #tpu.memory_space<vmem>> -> memref<1x200x64xf32, #tpu.memory_space<vmem>>
      %dma_wait3A_117 = tpu.memref_squeeze %dma_wait3A_116 : memref<1x200x64xf32, #tpu.memory_space<vmem>> -> memref<200x64xf32, #tpu.memory_space<vmem>>
      %dma_wait3A_118 = arith.constant 0 : i32
      %dma_wait3A_119 = arith.constant 0 : i32
      %dma_wait3A_120 = tpu.memref_slice %arg2[%dma_wait3A_118, %dma_wait3A_119] : memref<100000x64xf32, #tpu.memory_space<hbm>> -> memref<200x64xf32, #tpu.memory_space<hbm>>
      tpu.wait_dma2 semaphore(%arg8 : memref<!tpu.dma_semaphore, #tpu.memory_space<semaphore_mem>>) src(%dma_wait3A_120 : memref<200x64xf32, #tpu.memory_space<hbm>>) dst(%dma_wait3A_117 : memref<200x64xf32, #tpu.memory_space<vmem>>)
      %add3A_121 = arith.constant 0 : i32
      %add3A_122 = arith.addi %add3A_106, %add3A_121 : i32
      %broadcast_in_dim3A = arith.constant 0.000000e+00 : f32
      %broadcast_in_dim3A_123 = vector.broadcast %broadcast_in_dim3A : f32 to vector<16xf32>
      %scan3A_124 = arith.constant 0 : i32
      %scan3A_125 = arith.constant 200 : i32
      %scan3A_126 = arith.addi %scan3A_124, %scan3A_125 : i32
      %scan3A_127 = arith.constant 8 : i32
      %scan3A_128:4 = scf.for %scan3A_317 = %scan3A_124 to %scan3A_126 step %scan3A_127 iter_args(%scan3A_318 = %broadcast_in_dim3A_123, %scan3A_319 = %broadcast_in_dim3A_123, %scan3A_320 = %broadcast_in_dim3A_123, %scan3A_321 = %broadcast_in_dim3A_123) -> (vector<16xf32>, vector<16xf32>, vector<16xf32>, vector<16xf32>)  : i32 {
        %get3A = arith.constant 0 : i32
        %get3A_322 = arith.index_cast %get3A : i32 to index
        %get3A_323 = arith.index_cast %scan3A_317 : i32 to index
        %get3A_324 = arith.constant 0 : index
        %get3A_325 = tpu.vector_load %arg6[%get3A_322, %get3A_323, %get3A_324] {strides = array<i32>} : memref<4x200x64xf32, #tpu.memory_space<vmem>>, vector<1x1x16xf32>,
        %get3A_326 = vector.shape_cast %get3A_325 : vector<1x1x16xf32> to vector<16xf32>
        %add3A_327 = arith.addf %scan3A_318, %get3A_326 : vector<16xf32>
        %get3A_328 = arith.constant 0 : i32
        %get3A_329 = arith.index_cast %get3A_328 : i32 to index
        %get3A_330 = arith.index_cast %scan3A_317 : i32 to index
        %get3A_331 = arith.constant 16 : index
        %get3A_332 = tpu.vector_load %arg6[%get3A_329, %get3A_330, %get3A_331] {strides = array<i32>} : memref<4x200x64xf32, #tpu.memory_space<vmem>>, vector<1x1x16xf32>,
        %get3A_333 = vector.shape_cast %get3A_332 : vector<1x1x16xf32> to vector<16xf32>
        %add3A_334 = arith.addf %scan3A_319, %get3A_333 : vector<16xf32>
        %get3A_335 = arith.constant 0 : i32
        %get3A_336 = arith.index_cast %get3A_335 : i32 to index
        %get3A_337 = arith.index_cast %scan3A_317 : i32 to index
        %get3A_338 = arith.constant 32 : index
        %get3A_339 = tpu.vector_load %arg6[%get3A_336, %get3A_337, %get3A_338] {strides = array<i32>} : memref<4x200x64xf32, #tpu.memory_space<vmem>>, vector<1x1x16xf32>,
        %get3A_340 = vector.shape_cast %get3A_339 : vector<1x1x16xf32> to vector<16xf32>
        %add3A_341 = arith.addf %scan3A_320, %get3A_340 : vector<16xf32>
        %get3A_342 = arith.constant 0 : i32
        %get3A_343 = arith.index_cast %get3A_342 : i32 to index
        %get3A_344 = arith.index_cast %scan3A_317 : i32 to index
        %get3A_345 = arith.constant 48 : index
        %get3A_346 = tpu.vector_load %arg6[%get3A_343, %get3A_344, %get3A_345] {strides = array<i32>} : memref<4x200x64xf32, #tpu.memory_space<vmem>>, vector<1x1x16xf32>,
        %get3A_347 = vector.shape_cast %get3A_346 : vector<1x1x16xf32> to vector<16xf32>
        %add3A_348 = arith.addf %scan3A_321, %get3A_347 : vector<16xf32>
        %scan3A_349 = arith.constant 1 : i32
        %scan3A_350 = arith.addi %scan3A_317, %scan3A_349 : i32
        %get3A_351 = arith.constant 0 : i32
        %get3A_352 = arith.index_cast %get3A_351 : i32 to index
        %get3A_353 = arith.index_cast %scan3A_350 : i32 to index
        %get3A_354 = arith.constant 0 : index
        %get3A_355 = tpu.vector_load %arg6[%get3A_352, %get3A_353, %get3A_354] {strides = array<i32>} : memref<4x200x64xf32, #tpu.memory_space<vmem>>, vector<1x1x16xf32>,
        %get3A_356 = vector.shape_cast %get3A_355 : vector<1x1x16xf32> to vector<16xf32>
        %add3A_357 = arith.addf %add3A_327, %get3A_356 : vector<16xf32>
        %get3A_358 = arith.constant 0 : i32
        %get3A_359 = arith.index_cast %get3A_358 : i32 to index
        %get3A_360 = arith.index_cast %scan3A_350 : i32 to index
        %get3A_361 = arith.constant 16 : index
        %get3A_362 = tpu.vector_load %arg6[%get3A_359, %get3A_360, %get3A_361] {strides = array<i32>} : memref<4x200x64xf32, #tpu.memory_space<vmem>>, vector<1x1x16xf32>,
        %get3A_363 = vector.shape_cast %get3A_362 : vector<1x1x16xf32> to vector<16xf32>
        %add3A_364 = arith.addf %add3A_334, %get3A_363 : vector<16xf32>
        %get3A_365 = arith.constant 0 : i32
        %get3A_366 = arith.index_cast %get3A_365 : i32 to index
        %get3A_367 = arith.index_cast %scan3A_350 : i32 to index
        %get3A_368 = arith.constant 32 : index
        %get3A_369 = tpu.vector_load %arg6[%get3A_366, %get3A_367, %get3A_368] {strides = array<i32>} : memref<4x200x64xf32, #tpu.memory_space<vmem>>, vector<1x1x16xf32>,
        %get3A_370 = vector.shape_cast %get3A_369 : vector<1x1x16xf32> to vector<16xf32>
        %add3A_371 = arith.addf %add3A_341, %get3A_370 : vector<16xf32>
        %get3A_372 = arith.constant 0 : i32
        %get3A_373 = arith.index_cast %get3A_372 : i32 to index
        %get3A_374 = arith.index_cast %scan3A_350 : i32 to index
        %get3A_375 = arith.constant 48 : index
        %get3A_376 = tpu.vector_load %arg6[%get3A_373, %get3A_374, %get3A_375] {strides = array<i32>} : memref<4x200x64xf32, #tpu.memory_space<vmem>>, vector<1x1x16xf32>,
        %get3A_377 = vector.shape_cast %get3A_376 : vector<1x1x16xf32> to vector<16xf32>
        %add3A_378 = arith.addf %add3A_348, %get3A_377 : vector<16xf32>
        %scan3A_379 = arith.constant 2 : i32
        %scan3A_380 = arith.addi %scan3A_317, %scan3A_379 : i32
        %get3A_381 = arith.constant 0 : i32
        %get3A_382 = arith.index_cast %get3A_381 : i32 to index
        %get3A_383 = arith.index_cast %scan3A_380 : i32 to index
        %get3A_384 = arith.constant 0 : index
        %get3A_385 = tpu.vector_load %arg6[%get3A_382, %get3A_383, %get3A_384] {strides = array<i32>} : memref<4x200x64xf32, #tpu.memory_space<vmem>>, vector<1x1x16xf32>,
        %get3A_386 = vector.shape_cast %get3A_385 : vector<1x1x16xf32> to vector<16xf32>
        %add3A_387 = arith.addf %add3A_357, %get3A_386 : vector<16xf32>
        %get3A_388 = arith.constant 0 : i32
        %get3A_389 = arith.index_cast %get3A_388 : i32 to index
        %get3A_390 = arith.index_cast %scan3A_380 : i32 to index
        %get3A_391 = arith.constant 16 : index
        %get3A_392 = tpu.vector_load %arg6[%get3A_389, %get3A_390, %get3A_391] {strides = array<i32>} : memref<4x200x64xf32, #tpu.memory_space<vmem>>, vector<1x1x16xf32>,
        %get3A_393 = vector.shape_cast %get3A_392 : vector<1x1x16xf32> to vector<16xf32>
        %add3A_394 = arith.addf %add3A_364, %get3A_393 : vector<16xf32>
        %get3A_395 = arith.constant 0 : i32
        %get3A_396 = arith.index_cast %get3A_395 : i32 to index
        %get3A_397 = arith.index_cast %scan3A_380 : i32 to index
        %get3A_398 = arith.constant 32 : index
        %get3A_399 = tpu.vector_load %arg6[%get3A_396, %get3A_397, %get3A_398] {strides = array<i32>} : memref<4x200x64xf32, #tpu.memory_space<vmem>>, vector<1x1x16xf32>,
        %get3A_400 = vector.shape_cast %get3A_399 : vector<1x1x16xf32> to vector<16xf32>
        %add3A_401 = arith.addf %add3A_371, %get3A_400 : vector<16xf32>
        %get3A_402 = arith.constant 0 : i32
        %get3A_403 = arith.index_cast %get3A_402 : i32 to index
        %get3A_404 = arith.index_cast %scan3A_380 : i32 to index
        %get3A_405 = arith.constant 48 : index
        %get3A_406 = tpu.vector_load %arg6[%get3A_403, %get3A_404, %get3A_405] {strides = array<i32>} : memref<4x200x64xf32, #tpu.memory_space<vmem>>, vector<1x1x16xf32>,
        %get3A_407 = vector.shape_cast %get3A_406 : vector<1x1x16xf32> to vector<16xf32>
        %add3A_408 = arith.addf %add3A_378, %get3A_407 : vector<16xf32>
        %scan3A_409 = arith.constant 3 : i32
        %scan3A_410 = arith.addi %scan3A_317, %scan3A_409 : i32
        %get3A_411 = arith.constant 0 : i32
        %get3A_412 = arith.index_cast %get3A_411 : i32 to index
        %get3A_413 = arith.index_cast %scan3A_410 : i32 to index
        %get3A_414 = arith.constant 0 : index
        %get3A_415 = tpu.vector_load %arg6[%get3A_412, %get3A_413, %get3A_414] {strides = array<i32>} : memref<4x200x64xf32, #tpu.memory_space<vmem>>, vector<1x1x16xf32>,
        %get3A_416 = vector.shape_cast %get3A_415 : vector<1x1x16xf32> to vector<16xf32>
        %add3A_417 = arith.addf %add3A_387, %get3A_416 : vector<16xf32>
        %get3A_418 = arith.constant 0 : i32
        %get3A_419 = arith.index_cast %get3A_418 : i32 to index
        %get3A_420 = arith.index_cast %scan3A_410 : i32 to index
        %get3A_421 = arith.constant 16 : index
        %get3A_422 = tpu.vector_load %arg6[%get3A_419, %get3A_420, %get3A_421] {strides = array<i32>} : memref<4x200x64xf32, #tpu.memory_space<vmem>>, vector<1x1x16xf32>,
        %get3A_423 = vector.shape_cast %get3A_422 : vector<1x1x16xf32> to vector<16xf32>
        %add3A_424 = arith.addf %add3A_394, %get3A_423 : vector<16xf32>
        %get3A_425 = arith.constant 0 : i32
        %get3A_426 = arith.index_cast %get3A_425 : i32 to index
        %get3A_427 = arith.index_cast %scan3A_410 : i32 to index
        %get3A_428 = arith.constant 32 : index
        %get3A_429 = tpu.vector_load %arg6[%get3A_426, %get3A_427, %get3A_428] {strides = array<i32>} : memref<4x200x64xf32, #tpu.memory_space<vmem>>, vector<1x1x16xf32>,
        %get3A_430 = vector.shape_cast %get3A_429 : vector<1x1x16xf32> to vector<16xf32>
        %add3A_431 = arith.addf %add3A_401, %get3A_430 : vector<16xf32>
        %get3A_432 = arith.constant 0 : i32
        %get3A_433 = arith.index_cast %get3A_432 : i32 to index
        %get3A_434 = arith.index_cast %scan3A_410 : i32 to index
        %get3A_435 = arith.constant 48 : index
        %get3A_436 = tpu.vector_load %arg6[%get3A_433, %get3A_434, %get3A_435] {strides = array<i32>} : memref<4x200x64xf32, #tpu.memory_space<vmem>>, vector<1x1x16xf32>,
        %get3A_437 = vector.shape_cast %get3A_436 : vector<1x1x16xf32> to vector<16xf32>
        %add3A_438 = arith.addf %add3A_408, %get3A_437 : vector<16xf32>
        %scan3A_439 = arith.constant 4 : i32
        %scan3A_440 = arith.addi %scan3A_317, %scan3A_439 : i32
        %get3A_441 = arith.constant 0 : i32
        %get3A_442 = arith.index_cast %get3A_441 : i32 to index
        %get3A_443 = arith.index_cast %scan3A_440 : i32 to index
        %get3A_444 = arith.constant 0 : index
        %get3A_445 = tpu.vector_load %arg6[%get3A_442, %get3A_443, %get3A_444] {strides = array<i32>} : memref<4x200x64xf32, #tpu.memory_space<vmem>>, vector<1x1x16xf32>,
        %get3A_446 = vector.shape_cast %get3A_445 : vector<1x1x16xf32> to vector<16xf32>
        %add3A_447 = arith.addf %add3A_417, %get3A_446 : vector<16xf32>
        %get3A_448 = arith.constant 0 : i32
        %get3A_449 = arith.index_cast %get3A_448 : i32 to index
        %get3A_450 = arith.index_cast %scan3A_440 : i32 to index
        %get3A_451 = arith.constant 16 : index
        %get3A_452 = tpu.vector_load %arg6[%get3A_449, %get3A_450, %get3A_451] {strides = array<i32>} : memref<4x200x64xf32, #tpu.memory_space<vmem>>, vector<1x1x16xf32>,
        %get3A_453 = vector.shape_cast %get3A_452 : vector<1x1x16xf32> to vector<16xf32>
        %add3A_454 = arith.addf %add3A_424, %get3A_453 : vector<16xf32>
        %get3A_455 = arith.constant 0 : i32
        %get3A_456 = arith.index_cast %get3A_455 : i32 to index
        %get3A_457 = arith.index_cast %scan3A_440 : i32 to index
        %get3A_458 = arith.constant 32 : index
        %get3A_459 = tpu.vector_load %arg6[%get3A_456, %get3A_457, %get3A_458] {strides = array<i32>} : memref<4x200x64xf32, #tpu.memory_space<vmem>>, vector<1x1x16xf32>,
        %get3A_460 = vector.shape_cast %get3A_459 : vector<1x1x16xf32> to vector<16xf32>
        %add3A_461 = arith.addf %add3A_431, %get3A_460 : vector<16xf32>
        %get3A_462 = arith.constant 0 : i32
        %get3A_463 = arith.index_cast %get3A_462 : i32 to index
        %get3A_464 = arith.index_cast %scan3A_440 : i32 to index
        %get3A_465 = arith.constant 48 : index
        %get3A_466 = tpu.vector_load %arg6[%get3A_463, %get3A_464, %get3A_465] {strides = array<i32>} : memref<4x200x64xf32, #tpu.memory_space<vmem>>, vector<1x1x16xf32>,
        %get3A_467 = vector.shape_cast %get3A_466 : vector<1x1x16xf32> to vector<16xf32>
        %add3A_468 = arith.addf %add3A_438, %get3A_467 : vector<16xf32>
        %scan3A_469 = arith.constant 5 : i32
        %scan3A_470 = arith.addi %scan3A_317, %scan3A_469 : i32
        %get3A_471 = arith.constant 0 : i32
        %get3A_472 = arith.index_cast %get3A_471 : i32 to index
        %get3A_473 = arith.index_cast %scan3A_470 : i32 to index
        %get3A_474 = arith.constant 0 : index
        %get3A_475 = tpu.vector_load %arg6[%get3A_472, %get3A_473, %get3A_474] {strides = array<i32>} : memref<4x200x64xf32, #tpu.memory_space<vmem>>, vector<1x1x16xf32>,
        %get3A_476 = vector.shape_cast %get3A_475 : vector<1x1x16xf32> to vector<16xf32>
        %add3A_477 = arith.addf %add3A_447, %get3A_476 : vector<16xf32>
        %get3A_478 = arith.constant 0 : i32
        %get3A_479 = arith.index_cast %get3A_478 : i32 to index
        %get3A_480 = arith.index_cast %scan3A_470 : i32 to index
        %get3A_481 = arith.constant 16 : index
        %get3A_482 = tpu.vector_load %arg6[%get3A_479, %get3A_480, %get3A_481] {strides = array<i32>} : memref<4x200x64xf32, #tpu.memory_space<vmem>>, vector<1x1x16xf32>,
        %get3A_483 = vector.shape_cast %get3A_482 : vector<1x1x16xf32> to vector<16xf32>
        %add3A_484 = arith.addf %add3A_454, %get3A_483 : vector<16xf32>
        %get3A_485 = arith.constant 0 : i32
        %get3A_486 = arith.index_cast %get3A_485 : i32 to index
        %get3A_487 = arith.index_cast %scan3A_470 : i32 to index
        %get3A_488 = arith.constant 32 : index
        %get3A_489 = tpu.vector_load %arg6[%get3A_486, %get3A_487, %get3A_488] {strides = array<i32>} : memref<4x200x64xf32, #tpu.memory_space<vmem>>, vector<1x1x16xf32>,
        %get3A_490 = vector.shape_cast %get3A_489 : vector<1x1x16xf32> to vector<16xf32>
        %add3A_491 = arith.addf %add3A_461, %get3A_490 : vector<16xf32>
        %get3A_492 = arith.constant 0 : i32
        %get3A_493 = arith.index_cast %get3A_492 : i32 to index
        %get3A_494 = arith.index_cast %scan3A_470 : i32 to index
        %get3A_495 = arith.constant 48 : index
        %get3A_496 = tpu.vector_load %arg6[%get3A_493, %get3A_494, %get3A_495] {strides = array<i32>} : memref<4x200x64xf32, #tpu.memory_space<vmem>>, vector<1x1x16xf32>,
        %get3A_497 = vector.shape_cast %get3A_496 : vector<1x1x16xf32> to vector<16xf32>
        %add3A_498 = arith.addf %add3A_468, %get3A_497 : vector<16xf32>
        %scan3A_499 = arith.constant 6 : i32
        %scan3A_500 = arith.addi %scan3A_317, %scan3A_499 : i32
        %get3A_501 = arith.constant 0 : i32
        %get3A_502 = arith.index_cast %get3A_501 : i32 to index
        %get3A_503 = arith.index_cast %scan3A_500 : i32 to index
        %get3A_504 = arith.constant 0 : index
        %get3A_505 = tpu.vector_load %arg6[%get3A_502, %get3A_503, %get3A_504] {strides = array<i32>} : memref<4x200x64xf32, #tpu.memory_space<vmem>>, vector<1x1x16xf32>,
        %get3A_506 = vector.shape_cast %get3A_505 : vector<1x1x16xf32> to vector<16xf32>
        %add3A_507 = arith.addf %add3A_477, %get3A_506 : vector<16xf32>
        %get3A_508 = arith.constant 0 : i32
        %get3A_509 = arith.index_cast %get3A_508 : i32 to index
        %get3A_510 = arith.index_cast %scan3A_500 : i32 to index
        %get3A_511 = arith.constant 16 : index
        %get3A_512 = tpu.vector_load %arg6[%get3A_509, %get3A_510, %get3A_511] {strides = array<i32>} : memref<4x200x64xf32, #tpu.memory_space<vmem>>, vector<1x1x16xf32>,
        %get3A_513 = vector.shape_cast %get3A_512 : vector<1x1x16xf32> to vector<16xf32>
        %add3A_514 = arith.addf %add3A_484, %get3A_513 : vector<16xf32>
        %get3A_515 = arith.constant 0 : i32
        %get3A_516 = arith.index_cast %get3A_515 : i32 to index
        %get3A_517 = arith.index_cast %scan3A_500 : i32 to index
        %get3A_518 = arith.constant 32 : index
        %get3A_519 = tpu.vector_load %arg6[%get3A_516, %get3A_517, %get3A_518] {strides = array<i32>} : memref<4x200x64xf32, #tpu.memory_space<vmem>>, vector<1x1x16xf32>,
        %get3A_520 = vector.shape_cast %get3A_519 : vector<1x1x16xf32> to vector<16xf32>
        %add3A_521 = arith.addf %add3A_491, %get3A_520 : vector<16xf32>
        %get3A_522 = arith.constant 0 : i32
        %get3A_523 = arith.index_cast %get3A_522 : i32 to index
        %get3A_524 = arith.index_cast %scan3A_500 : i32 to index
        %get3A_525 = arith.constant 48 : index
        %get3A_526 = tpu.vector_load %arg6[%get3A_523, %get3A_524, %get3A_525] {strides = array<i32>} : memref<4x200x64xf32, #tpu.memory_space<vmem>>, vector<1x1x16xf32>,
        %get3A_527 = vector.shape_cast %get3A_526 : vector<1x1x16xf32> to vector<16xf32>
        %add3A_528 = arith.addf %add3A_498, %get3A_527 : vector<16xf32>
        %scan3A_529 = arith.constant 7 : i32
        %scan3A_530 = arith.addi %scan3A_317, %scan3A_529 : i32
        %get3A_531 = arith.constant 0 : i32
        %get3A_532 = arith.index_cast %get3A_531 : i32 to index
        %get3A_533 = arith.index_cast %scan3A_530 : i32 to index
        %get3A_534 = arith.constant 0 : index
        %get3A_535 = tpu.vector_load %arg6[%get3A_532, %get3A_533, %get3A_534] {strides = array<i32>} : memref<4x200x64xf32, #tpu.memory_space<vmem>>, vector<1x1x16xf32>,
        %get3A_536 = vector.shape_cast %get3A_535 : vector<1x1x16xf32> to vector<16xf32>
        %add3A_537 = arith.addf %add3A_507, %get3A_536 : vector<16xf32>
        %get3A_538 = arith.constant 0 : i32
        %get3A_539 = arith.index_cast %get3A_538 : i32 to index
        %get3A_540 = arith.index_cast %scan3A_530 : i32 to index
        %get3A_541 = arith.constant 16 : index
        %get3A_542 = tpu.vector_load %arg6[%get3A_539, %get3A_540, %get3A_541] {strides = array<i32>} : memref<4x200x64xf32, #tpu.memory_space<vmem>>, vector<1x1x16xf32>,
        %get3A_543 = vector.shape_cast %get3A_542 : vector<1x1x16xf32> to vector<16xf32>
        %add3A_544 = arith.addf %add3A_514, %get3A_543 : vector<16xf32>
        %get3A_545 = arith.constant 0 : i32
        %get3A_546 = arith.index_cast %get3A_545 : i32 to index
        %get3A_547 = arith.index_cast %scan3A_530 : i32 to index
        %get3A_548 = arith.constant 32 : index
        %get3A_549 = tpu.vector_load %arg6[%get3A_546, %get3A_547, %get3A_548] {strides = array<i32>} : memref<4x200x64xf32, #tpu.memory_space<vmem>>, vector<1x1x16xf32>,
        %get3A_550 = vector.shape_cast %get3A_549 : vector<1x1x16xf32> to vector<16xf32>
        %add3A_551 = arith.addf %add3A_521, %get3A_550 : vector<16xf32>
        %get3A_552 = arith.constant 0 : i32
        %get3A_553 = arith.index_cast %get3A_552 : i32 to index
        %get3A_554 = arith.index_cast %scan3A_530 : i32 to index
        %get3A_555 = arith.constant 48 : index
        %get3A_556 = tpu.vector_load %arg6[%get3A_553, %get3A_554, %get3A_555] {strides = array<i32>} : memref<4x200x64xf32, #tpu.memory_space<vmem>>, vector<1x1x16xf32>,
        %get3A_557 = vector.shape_cast %get3A_556 : vector<1x1x16xf32> to vector<16xf32>
        %add3A_558 = arith.addf %add3A_528, %get3A_557 : vector<16xf32>
        scf.yield %add3A_537, %add3A_544, %add3A_551, %add3A_558 : vector<16xf32>, vector<16xf32>, vector<16xf32>, vector<16xf32>
      }
      %scan3A_129 = arith.constant 200 : i32
      %swap3A = arith.index_cast %add3A_122 : i32 to index
      %swap3A_130 = arith.constant 0 : index
      %swap3A_131 = tpu.vector_load %arg7[%swap3A, %swap3A_130] {strides = array<i32>} : memref<128x64xf32, #tpu.memory_space<vmem>>, vector<1x16xf32>,
      %swap3A_132 = vector.shape_cast %swap3A_131 : vector<1x16xf32> to vector<16xf32>
      %swap3A_133 = vector.shape_cast %scan3A_128#0 : vector<16xf32> to vector<1x16xf32>
      tpu.vector_store %arg7[%swap3A, %swap3A_130], %swap3A_133 {strides = array<i32>} : memref<128x64xf32, #tpu.memory_space<vmem>>, vector<1x16xf32>,
      %swap3A_134 = arith.index_cast %add3A_122 : i32 to index
      %swap3A_135 = arith.constant 16 : index
      %swap3A_136 = tpu.vector_load %arg7[%swap3A_134, %swap3A_135] {strides = array<i32>} : memref<128x64xf32, #tpu.memory_space<vmem>>, vector<1x16xf32>,
      %swap3A_137 = vector.shape_cast %swap3A_136 : vector<1x16xf32> to vector<16xf32>
      %swap3A_138 = vector.shape_cast %scan3A_128#1 : vector<16xf32> to vector<1x16xf32>
      tpu.vector_store %arg7[%swap3A_134, %swap3A_135], %swap3A_138 {strides = array<i32>} : memref<128x64xf32, #tpu.memory_space<vmem>>, vector<1x16xf32>,
      %swap3A_139 = arith.index_cast %add3A_122 : i32 to index
      %swap3A_140 = arith.constant 32 : index
      %swap3A_141 = tpu.vector_load %arg7[%swap3A_139, %swap3A_140] {strides = array<i32>} : memref<128x64xf32, #tpu.memory_space<vmem>>, vector<1x16xf32>,
      %swap3A_142 = vector.shape_cast %swap3A_141 : vector<1x16xf32> to vector<16xf32>
      %swap3A_143 = vector.shape_cast %scan3A_128#2 : vector<16xf32> to vector<1x16xf32>
      tpu.vector_store %arg7[%swap3A_139, %swap3A_140], %swap3A_143 {strides = array<i32>} : memref<128x64xf32, #tpu.memory_space<vmem>>, vector<1x16xf32>,
      %swap3A_144 = arith.index_cast %add3A_122 : i32 to index
      %swap3A_145 = arith.constant 48 : index
      %swap3A_146 = tpu.vector_load %arg7[%swap3A_144, %swap3A_145] {strides = array<i32>} : memref<128x64xf32, #tpu.memory_space<vmem>>, vector<1x16xf32>,
      %swap3A_147 = vector.shape_cast %swap3A_146 : vector<1x16xf32> to vector<16xf32>
      %swap3A_148 = vector.shape_cast %scan3A_128#3 : vector<16xf32> to vector<1x16xf32>
      tpu.vector_store %arg7[%swap3A_144, %swap3A_145], %swap3A_148 {strides = array<i32>} : memref<128x64xf32, #tpu.memory_space<vmem>>, vector<1x16xf32>,
      %add3A_149 = arith.constant 0 : i32
      %add3A_150 = arith.addi %add3A_106, %add3A_149 : i32
      %add3A_151 = arith.constant 4 : i32
      %add3A_152 = arith.addi %add3A_150, %add3A_151 : i32
      %lt3A = arith.constant 128 : i32
      %lt3A_153 = arith.cmpi slt, %add3A_152, %lt3A : i32
      %convert_element_type3A = arith.extui %lt3A_153 : i1 to i32
      %cond3A = arith.constant 0 : i32
      %cond3A_154 = arith.cmpi ne, %convert_element_type3A, %cond3A : i32
      scf.if %cond3A_154 {
        %add3A_317 = arith.constant 0 : i32
        %add3A_318 = arith.addi %add3A_106, %add3A_317 : i32
        %add3A_319 = arith.constant 4 : i32
        %add3A_320 = arith.addi %add3A_318, %add3A_319 : i32
        %dma_start3A_321 = arith.constant 0 : i32
        %dma_start3A_322 = arith.constant 0 : i32
        %dma_start3A_323 = arith.constant 0 : i32
        %dma_start3A_324 = tpu.memref_slice %arg6[%dma_start3A_321, %dma_start3A_322, %dma_start3A_323] : memref<4x200x64xf32, #tpu.memory_space<vmem>> -> memref<1x104x64xf32, #tpu.memory_space<vmem>>
        %dma_start3A_325 = tpu.memref_squeeze %dma_start3A_324 : memref<1x104x64xf32, #tpu.memory_space<vmem>> -> memref<104x64xf32, #tpu.memory_space<vmem>>
        %dma_start3A_326 = arith.constant 0 : i32
        %dma_start3A_327 = tpu.memref_slice %arg5[%add3A_320, %dma_start3A_326] : memref<128x200xi32, #tpu.memory_space<vmem>> -> memref<1x104xi32, #tpu.memory_space<vmem>>
        %dma_start3A_328 = tpu.memref_squeeze %dma_start3A_327 : memref<1x104xi32, #tpu.memory_space<vmem>> -> memref<104xi32, #tpu.memory_space<vmem>>
        %dma_start3A_329 = arith.constant 0 : i32
        %dma_start3A_330 = arith.constant 0 : i32
        %dma_start3A_331 = tpu.memref_slice %arg2[%dma_start3A_329, %dma_start3A_330] : memref<100000x64xf32, #tpu.memory_space<hbm>> -> memref<100000x64xf32, #tpu.memory_space<hbm>>
        tpu.enqueue_indirect_dma source(%dma_start3A_331 : memref<100000x64xf32, #tpu.memory_space<hbm>>) target(%dma_start3A_325 : memref<104x64xf32, #tpu.memory_space<vmem>>) offsets(%dma_start3A_328 : memref<104xi32, #tpu.memory_space<vmem>>) semaphore(%arg8 : memref<!tpu.dma_semaphore, #tpu.memory_space<semaphore_mem>>)
        %dma_start3A_332 = arith.constant 0 : i32
        %dma_start3A_333 = arith.constant 104 : i32
        %dma_start3A_334 = arith.constant 0 : i32
        %dma_start3A_335 = tpu.memref_slice %arg6[%dma_start3A_332, %dma_start3A_333, %dma_start3A_334] : memref<4x200x64xf32, #tpu.memory_space<vmem>> -> memref<1x96x64xf32, #tpu.memory_space<vmem>>
        %dma_start3A_336 = tpu.memref_squeeze %dma_start3A_335 : memref<1x96x64xf32, #tpu.memory_space<vmem>> -> memref<96x64xf32, #tpu.memory_space<vmem>>
        %dma_start3A_337 = arith.constant 104 : i32
        %dma_start3A_338 = tpu.memref_slice %arg5[%add3A_320, %dma_start3A_337] : memref<128x200xi32, #tpu.memory_space<vmem>> -> memref<1x96xi32, #tpu.memory_space<vmem>>
        %dma_start3A_339 = tpu.memref_squeeze %dma_start3A_338 : memref<1x96xi32, #tpu.memory_space<vmem>> -> memref<96xi32, #tpu.memory_space<vmem>>
        %dma_start3A_340 = arith.constant 0 : i32
        %dma_start3A_341 = arith.constant 0 : i32
        %dma_start3A_342 = tpu.memref_slice %arg2[%dma_start3A_340, %dma_start3A_341] : memref<100000x64xf32, #tpu.memory_space<hbm>> -> memref<100000x64xf32, #tpu.memory_space<hbm>>
        tpu.enqueue_indirect_dma source(%dma_start3A_342 : memref<100000x64xf32, #tpu.memory_space<hbm>>) target(%dma_start3A_336 : memref<96x64xf32, #tpu.memory_space<vmem>>) offsets(%dma_start3A_339 : memref<96xi32, #tpu.memory_space<vmem>>) semaphore(%arg8 : memref<!tpu.dma_semaphore, #tpu.memory_space<semaphore_mem>>)
      } else {
      }
      %dma_wait3A_155 = arith.constant 1 : i32
      %dma_wait3A_156 = arith.constant 0 : i32
      %dma_wait3A_157 = arith.constant 0 : i32
      %dma_wait3A_158 = tpu.memref_slice %arg6[%dma_wait3A_155, %dma_wait3A_156, %dma_wait3A_157] : memref<4x200x64xf32, #tpu.memory_space<vmem>> -> memref<1x200x64xf32, #tpu.memory_space<vmem>>
      %dma_wait3A_159 = tpu.memref_squeeze %dma_wait3A_158 : memref<1x200x64xf32, #tpu.memory_space<vmem>> -> memref<200x64xf32, #tpu.memory_space<vmem>>
      %dma_wait3A_160 = arith.constant 0 : i32
      %dma_wait3A_161 = arith.constant 0 : i32
      %dma_wait3A_162 = tpu.memref_slice %arg2[%dma_wait3A_160, %dma_wait3A_161] : memref<100000x64xf32, #tpu.memory_space<hbm>> -> memref<200x64xf32, #tpu.memory_space<hbm>>
      %dma_wait3A_163 = arith.constant 0 : i32
      %dma_wait3A_164 = arith.constant 0 : i32
      %dma_wait3A_165 = tpu.memref_slice %arg6[%dma_wait3A_155, %dma_wait3A_163, %dma_wait3A_164] : memref<4x200x64xf32, #tpu.memory_space<vmem>> -> memref<1x200x64xf32, #tpu.memory_space<vmem>>
      %dma_wait3A_166 = tpu.memref_squeeze %dma_wait3A_165 : memref<1x200x64xf32, #tpu.memory_space<vmem>> -> memref<200x64xf32, #tpu.memory_space<vmem>>
      %dma_wait3A_167 = arith.constant 0 : i32
      %dma_wait3A_168 = arith.constant 0 : i32
      %dma_wait3A_169 = tpu.memref_slice %arg2[%dma_wait3A_167, %dma_wait3A_168] : memref<100000x64xf32, #tpu.memory_space<hbm>> -> memref<200x64xf32, #tpu.memory_space<hbm>>
      tpu.wait_dma2 semaphore(%arg9 : memref<!tpu.dma_semaphore, #tpu.memory_space<semaphore_mem>>) src(%dma_wait3A_169 : memref<200x64xf32, #tpu.memory_space<hbm>>) dst(%dma_wait3A_166 : memref<200x64xf32, #tpu.memory_space<vmem>>)
      %add3A_170 = arith.constant 1 : i32
      %add3A_171 = arith.addi %add3A_106, %add3A_170 : i32
      %broadcast_in_dim3A_172 = arith.constant 0.000000e+00 : f32
      %broadcast_in_dim3A_173 = vector.broadcast %broadcast_in_dim3A_172 : f32 to vector<16xf32>
      %scan3A_174 = arith.constant 0 : i32
      %scan3A_175 = arith.constant 200 : i32
      %scan3A_176 = arith.addi %scan3A_174, %scan3A_175 : i32
      %scan3A_177 = arith.constant 8 : i32
      %scan3A_178:4 = scf.for %scan3A_317 = %scan3A_174 to %scan3A_176 step %scan3A_177 iter_args(%scan3A_318 = %broadcast_in_dim3A_173, %scan3A_319 = %broadcast_in_dim3A_173, %scan3A_320 = %broadcast_in_dim3A_173, %scan3A_321 = %broadcast_in_dim3A_173) -> (vector<16xf32>, vector<16xf32>, vector<16xf32>, vector<16xf32>)  : i32 {
        %get3A = arith.constant 1 : i32
        %get3A_322 = arith.index_cast %get3A : i32 to index
        %get3A_323 = arith.index_cast %scan3A_317 : i32 to index
        %get3A_324 = arith.constant 0 : index
        %get3A_325 = tpu.vector_load %arg6[%get3A_322, %get3A_323, %get3A_324] {strides = array<i32>} : memref<4x200x64xf32, #tpu.memory_space<vmem>>, vector<1x1x16xf32>,
        %get3A_326 = vector.shape_cast %get3A_325 : vector<1x1x16xf32> to vector<16xf32>
        %add3A_327 = arith.addf %scan3A_318, %get3A_326 : vector<16xf32>
        %get3A_328 = arith.constant 1 : i32
        %get3A_329 = arith.index_cast %get3A_328 : i32 to index
        %get3A_330 = arith.index_cast %scan3A_317 : i32 to index
        %get3A_331 = arith.constant 16 : index
        %get3A_332 = tpu.vector_load %arg6[%get3A_329, %get3A_330, %get3A_331] {strides = array<i32>} : memref<4x200x64xf32, #tpu.memory_space<vmem>>, vector<1x1x16xf32>,
        %get3A_333 = vector.shape_cast %get3A_332 : vector<1x1x16xf32> to vector<16xf32>
        %add3A_334 = arith.addf %scan3A_319, %get3A_333 : vector<16xf32>
        %get3A_335 = arith.constant 1 : i32
        %get3A_336 = arith.index_cast %get3A_335 : i32 to index
        %get3A_337 = arith.index_cast %scan3A_317 : i32 to index
        %get3A_338 = arith.constant 32 : index
        %get3A_339 = tpu.vector_load %arg6[%get3A_336, %get3A_337, %get3A_338] {strides = array<i32>} : memref<4x200x64xf32, #tpu.memory_space<vmem>>, vector<1x1x16xf32>,
        %get3A_340 = vector.shape_cast %get3A_339 : vector<1x1x16xf32> to vector<16xf32>
        %add3A_341 = arith.addf %scan3A_320, %get3A_340 : vector<16xf32>
        %get3A_342 = arith.constant 1 : i32
        %get3A_343 = arith.index_cast %get3A_342 : i32 to index
        %get3A_344 = arith.index_cast %scan3A_317 : i32 to index
        %get3A_345 = arith.constant 48 : index
        %get3A_346 = tpu.vector_load %arg6[%get3A_343, %get3A_344, %get3A_345] {strides = array<i32>} : memref<4x200x64xf32, #tpu.memory_space<vmem>>, vector<1x1x16xf32>,
        %get3A_347 = vector.shape_cast %get3A_346 : vector<1x1x16xf32> to vector<16xf32>
        %add3A_348 = arith.addf %scan3A_321, %get3A_347 : vector<16xf32>
        %scan3A_349 = arith.constant 1 : i32
        %scan3A_350 = arith.addi %scan3A_317, %scan3A_349 : i32
        %get3A_351 = arith.constant 1 : i32
        %get3A_352 = arith.index_cast %get3A_351 : i32 to index
        %get3A_353 = arith.index_cast %scan3A_350 : i32 to index
        %get3A_354 = arith.constant 0 : index
        %get3A_355 = tpu.vector_load %arg6[%get3A_352, %get3A_353, %get3A_354] {strides = array<i32>} : memref<4x200x64xf32, #tpu.memory_space<vmem>>, vector<1x1x16xf32>,
        %get3A_356 = vector.shape_cast %get3A_355 : vector<1x1x16xf32> to vector<16xf32>
        %add3A_357 = arith.addf %add3A_327, %get3A_356 : vector<16xf32>
        %get3A_358 = arith.constant 1 : i32
        %get3A_359 = arith.index_cast %get3A_358 : i32 to index
        %get3A_360 = arith.index_cast %scan3A_350 : i32 to index
        %get3A_361 = arith.constant 16 : index
        %get3A_362 = tpu.vector_load %arg6[%get3A_359, %get3A_360, %get3A_361] {strides = array<i32>} : memref<4x200x64xf32, #tpu.memory_space<vmem>>, vector<1x1x16xf32>,
        %get3A_363 = vector.shape_cast %get3A_362 : vector<1x1x16xf32> to vector<16xf32>
        %add3A_364 = arith.addf %add3A_334, %get3A_363 : vector<16xf32>
        %get3A_365 = arith.constant 1 : i32
        %get3A_366 = arith.index_cast %get3A_365 : i32 to index
        %get3A_367 = arith.index_cast %scan3A_350 : i32 to index
        %get3A_368 = arith.constant 32 : index
        %get3A_369 = tpu.vector_load %arg6[%get3A_366, %get3A_367, %get3A_368] {strides = array<i32>} : memref<4x200x64xf32, #tpu.memory_space<vmem>>, vector<1x1x16xf32>,
        %get3A_370 = vector.shape_cast %get3A_369 : vector<1x1x16xf32> to vector<16xf32>
        %add3A_371 = arith.addf %add3A_341, %get3A_370 : vector<16xf32>
        %get3A_372 = arith.constant 1 : i32
        %get3A_373 = arith.index_cast %get3A_372 : i32 to index
        %get3A_374 = arith.index_cast %scan3A_350 : i32 to index
        %get3A_375 = arith.constant 48 : index
        %get3A_376 = tpu.vector_load %arg6[%get3A_373, %get3A_374, %get3A_375] {strides = array<i32>} : memref<4x200x64xf32, #tpu.memory_space<vmem>>, vector<1x1x16xf32>,
        %get3A_377 = vector.shape_cast %get3A_376 : vector<1x1x16xf32> to vector<16xf32>
        %add3A_378 = arith.addf %add3A_348, %get3A_377 : vector<16xf32>
        %scan3A_379 = arith.constant 2 : i32
        %scan3A_380 = arith.addi %scan3A_317, %scan3A_379 : i32
        %get3A_381 = arith.constant 1 : i32
        %get3A_382 = arith.index_cast %get3A_381 : i32 to index
        %get3A_383 = arith.index_cast %scan3A_380 : i32 to index
        %get3A_384 = arith.constant 0 : index
        %get3A_385 = tpu.vector_load %arg6[%get3A_382, %get3A_383, %get3A_384] {strides = array<i32>} : memref<4x200x64xf32, #tpu.memory_space<vmem>>, vector<1x1x16xf32>,
        %get3A_386 = vector.shape_cast %get3A_385 : vector<1x1x16xf32> to vector<16xf32>
        %add3A_387 = arith.addf %add3A_357, %get3A_386 : vector<16xf32>
        %get3A_388 = arith.constant 1 : i32
        %get3A_389 = arith.index_cast %get3A_388 : i32 to index
        %get3A_390 = arith.index_cast %scan3A_380 : i32 to index
        %get3A_391 = arith.constant 16 : index
        %get3A_392 = tpu.vector_load %arg6[%get3A_389, %get3A_390, %get3A_391] {strides = array<i32>} : memref<4x200x64xf32, #tpu.memory_space<vmem>>, vector<1x1x16xf32>,
        %get3A_393 = vector.shape_cast %get3A_392 : vector<1x1x16xf32> to vector<16xf32>
        %add3A_394 = arith.addf %add3A_364, %get3A_393 : vector<16xf32>
        %get3A_395 = arith.constant 1 : i32
        %get3A_396 = arith.index_cast %get3A_395 : i32 to index
        %get3A_397 = arith.index_cast %scan3A_380 : i32 to index
        %get3A_398 = arith.constant 32 : index
        %get3A_399 = tpu.vector_load %arg6[%get3A_396, %get3A_397, %get3A_398] {strides = array<i32>} : memref<4x200x64xf32, #tpu.memory_space<vmem>>, vector<1x1x16xf32>,
        %get3A_400 = vector.shape_cast %get3A_399 : vector<1x1x16xf32> to vector<16xf32>
        %add3A_401 = arith.addf %add3A_371, %get3A_400 : vector<16xf32>
        %get3A_402 = arith.constant 1 : i32
        %get3A_403 = arith.index_cast %get3A_402 : i32 to index
        %get3A_404 = arith.index_cast %scan3A_380 : i32 to index
        %get3A_405 = arith.constant 48 : index
        %get3A_406 = tpu.vector_load %arg6[%get3A_403, %get3A_404, %get3A_405] {strides = array<i32>} : memref<4x200x64xf32, #tpu.memory_space<vmem>>, vector<1x1x16xf32>,
        %get3A_407 = vector.shape_cast %get3A_406 : vector<1x1x16xf32> to vector<16xf32>
        %add3A_408 = arith.addf %add3A_378, %get3A_407 : vector<16xf32>
        %scan3A_409 = arith.constant 3 : i32
        %scan3A_410 = arith.addi %scan3A_317, %scan3A_409 : i32
        %get3A_411 = arith.constant 1 : i32
        %get3A_412 = arith.index_cast %get3A_411 : i32 to index
        %get3A_413 = arith.index_cast %scan3A_410 : i32 to index
        %get3A_414 = arith.constant 0 : index
        %get3A_415 = tpu.vector_load %arg6[%get3A_412, %get3A_413, %get3A_414] {strides = array<i32>} : memref<4x200x64xf32, #tpu.memory_space<vmem>>, vector<1x1x16xf32>,
        %get3A_416 = vector.shape_cast %get3A_415 : vector<1x1x16xf32> to vector<16xf32>
        %add3A_417 = arith.addf %add3A_387, %get3A_416 : vector<16xf32>
        %get3A_418 = arith.constant 1 : i32
        %get3A_419 = arith.index_cast %get3A_418 : i32 to index
        %get3A_420 = arith.index_cast %scan3A_410 : i32 to index
        %get3A_421 = arith.constant 16 : index
        %get3A_422 = tpu.vector_load %arg6[%get3A_419, %get3A_420, %get3A_421] {strides = array<i32>} : memref<4x200x64xf32, #tpu.memory_space<vmem>>, vector<1x1x16xf32>,
        %get3A_423 = vector.shape_cast %get3A_422 : vector<1x1x16xf32> to vector<16xf32>
        %add3A_424 = arith.addf %add3A_394, %get3A_423 : vector<16xf32>
        %get3A_425 = arith.constant 1 : i32
        %get3A_426 = arith.index_cast %get3A_425 : i32 to index
        %get3A_427 = arith.index_cast %scan3A_410 : i32 to index
        %get3A_428 = arith.constant 32 : index
        %get3A_429 = tpu.vector_load %arg6[%get3A_426, %get3A_427, %get3A_428] {strides = array<i32>} : memref<4x200x64xf32, #tpu.memory_space<vmem>>, vector<1x1x16xf32>,
        %get3A_430 = vector.shape_cast %get3A_429 : vector<1x1x16xf32> to vector<16xf32>
        %add3A_431 = arith.addf %add3A_401, %get3A_430 : vector<16xf32>
        %get3A_432 = arith.constant 1 : i32
        %get3A_433 = arith.index_cast %get3A_432 : i32 to index
        %get3A_434 = arith.index_cast %scan3A_410 : i32 to index
        %get3A_435 = arith.constant 48 : index
        %get3A_436 = tpu.vector_load %arg6[%get3A_433, %get3A_434, %get3A_435] {strides = array<i32>} : memref<4x200x64xf32, #tpu.memory_space<vmem>>, vector<1x1x16xf32>,
        %get3A_437 = vector.shape_cast %get3A_436 : vector<1x1x16xf32> to vector<16xf32>
        %add3A_438 = arith.addf %add3A_408, %get3A_437 : vector<16xf32>
        %scan3A_439 = arith.constant 4 : i32
        %scan3A_440 = arith.addi %scan3A_317, %scan3A_439 : i32
        %get3A_441 = arith.constant 1 : i32
        %get3A_442 = arith.index_cast %get3A_441 : i32 to index
        %get3A_443 = arith.index_cast %scan3A_440 : i32 to index
        %get3A_444 = arith.constant 0 : index
        %get3A_445 = tpu.vector_load %arg6[%get3A_442, %get3A_443, %get3A_444] {strides = array<i32>} : memref<4x200x64xf32, #tpu.memory_space<vmem>>, vector<1x1x16xf32>,
        %get3A_446 = vector.shape_cast %get3A_445 : vector<1x1x16xf32> to vector<16xf32>
        %add3A_447 = arith.addf %add3A_417, %get3A_446 : vector<16xf32>
        %get3A_448 = arith.constant 1 : i32
        %get3A_449 = arith.index_cast %get3A_448 : i32 to index
        %get3A_450 = arith.index_cast %scan3A_440 : i32 to index
        %get3A_451 = arith.constant 16 : index
        %get3A_452 = tpu.vector_load %arg6[%get3A_449, %get3A_450, %get3A_451] {strides = array<i32>} : memref<4x200x64xf32, #tpu.memory_space<vmem>>, vector<1x1x16xf32>,
        %get3A_453 = vector.shape_cast %get3A_452 : vector<1x1x16xf32> to vector<16xf32>
        %add3A_454 = arith.addf %add3A_424, %get3A_453 : vector<16xf32>
        %get3A_455 = arith.constant 1 : i32
        %get3A_456 = arith.index_cast %get3A_455 : i32 to index
        %get3A_457 = arith.index_cast %scan3A_440 : i32 to index
        %get3A_458 = arith.constant 32 : index
        %get3A_459 = tpu.vector_load %arg6[%get3A_456, %get3A_457, %get3A_458] {strides = array<i32>} : memref<4x200x64xf32, #tpu.memory_space<vmem>>, vector<1x1x16xf32>,
        %get3A_460 = vector.shape_cast %get3A_459 : vector<1x1x16xf32> to vector<16xf32>
        %add3A_461 = arith.addf %add3A_431, %get3A_460 : vector<16xf32>
        %get3A_462 = arith.constant 1 : i32
        %get3A_463 = arith.index_cast %get3A_462 : i32 to index
        %get3A_464 = arith.index_cast %scan3A_440 : i32 to index
        %get3A_465 = arith.constant 48 : index
        %get3A_466 = tpu.vector_load %arg6[%get3A_463, %get3A_464, %get3A_465] {strides = array<i32>} : memref<4x200x64xf32, #tpu.memory_space<vmem>>, vector<1x1x16xf32>,
        %get3A_467 = vector.shape_cast %get3A_466 : vector<1x1x16xf32> to vector<16xf32>
        %add3A_468 = arith.addf %add3A_438, %get3A_467 : vector<16xf32>
        %scan3A_469 = arith.constant 5 : i32
        %scan3A_470 = arith.addi %scan3A_317, %scan3A_469 : i32
        %get3A_471 = arith.constant 1 : i32
        %get3A_472 = arith.index_cast %get3A_471 : i32 to index
        %get3A_473 = arith.index_cast %scan3A_470 : i32 to index
        %get3A_474 = arith.constant 0 : index
        %get3A_475 = tpu.vector_load %arg6[%get3A_472, %get3A_473, %get3A_474] {strides = array<i32>} : memref<4x200x64xf32, #tpu.memory_space<vmem>>, vector<1x1x16xf32>,
        %get3A_476 = vector.shape_cast %get3A_475 : vector<1x1x16xf32> to vector<16xf32>
        %add3A_477 = arith.addf %add3A_447, %get3A_476 : vector<16xf32>
        %get3A_478 = arith.constant 1 : i32
        %get3A_479 = arith.index_cast %get3A_478 : i32 to index
        %get3A_480 = arith.index_cast %scan3A_470 : i32 to index
        %get3A_481 = arith.constant 16 : index
        %get3A_482 = tpu.vector_load %arg6[%get3A_479, %get3A_480, %get3A_481] {strides = array<i32>} : memref<4x200x64xf32, #tpu.memory_space<vmem>>, vector<1x1x16xf32>,
        %get3A_483 = vector.shape_cast %get3A_482 : vector<1x1x16xf32> to vector<16xf32>
        %add3A_484 = arith.addf %add3A_454, %get3A_483 : vector<16xf32>
        %get3A_485 = arith.constant 1 : i32
        %get3A_486 = arith.index_cast %get3A_485 : i32 to index
        %get3A_487 = arith.index_cast %scan3A_470 : i32 to index
        %get3A_488 = arith.constant 32 : index
        %get3A_489 = tpu.vector_load %arg6[%get3A_486, %get3A_487, %get3A_488] {strides = array<i32>} : memref<4x200x64xf32, #tpu.memory_space<vmem>>, vector<1x1x16xf32>,
        %get3A_490 = vector.shape_cast %get3A_489 : vector<1x1x16xf32> to vector<16xf32>
        %add3A_491 = arith.addf %add3A_461, %get3A_490 : vector<16xf32>
        %get3A_492 = arith.constant 1 : i32
        %get3A_493 = arith.index_cast %get3A_492 : i32 to index
        %get3A_494 = arith.index_cast %scan3A_470 : i32 to index
        %get3A_495 = arith.constant 48 : index
        %get3A_496 = tpu.vector_load %arg6[%get3A_493, %get3A_494, %get3A_495] {strides = array<i32>} : memref<4x200x64xf32, #tpu.memory_space<vmem>>, vector<1x1x16xf32>,
        %get3A_497 = vector.shape_cast %get3A_496 : vector<1x1x16xf32> to vector<16xf32>
        %add3A_498 = arith.addf %add3A_468, %get3A_497 : vector<16xf32>
        %scan3A_499 = arith.constant 6 : i32
        %scan3A_500 = arith.addi %scan3A_317, %scan3A_499 : i32
        %get3A_501 = arith.constant 1 : i32
        %get3A_502 = arith.index_cast %get3A_501 : i32 to index
        %get3A_503 = arith.index_cast %scan3A_500 : i32 to index
        %get3A_504 = arith.constant 0 : index
        %get3A_505 = tpu.vector_load %arg6[%get3A_502, %get3A_503, %get3A_504] {strides = array<i32>} : memref<4x200x64xf32, #tpu.memory_space<vmem>>, vector<1x1x16xf32>,
        %get3A_506 = vector.shape_cast %get3A_505 : vector<1x1x16xf32> to vector<16xf32>
        %add3A_507 = arith.addf %add3A_477, %get3A_506 : vector<16xf32>
        %get3A_508 = arith.constant 1 : i32
        %get3A_509 = arith.index_cast %get3A_508 : i32 to index
        %get3A_510 = arith.index_cast %scan3A_500 : i32 to index
        %get3A_511 = arith.constant 16 : index
        %get3A_512 = tpu.vector_load %arg6[%get3A_509, %get3A_510, %get3A_511] {strides = array<i32>} : memref<4x200x64xf32, #tpu.memory_space<vmem>>, vector<1x1x16xf32>,
        %get3A_513 = vector.shape_cast %get3A_512 : vector<1x1x16xf32> to vector<16xf32>
        %add3A_514 = arith.addf %add3A_484, %get3A_513 : vector<16xf32>
        %get3A_515 = arith.constant 1 : i32
        %get3A_516 = arith.index_cast %get3A_515 : i32 to index
        %get3A_517 = arith.index_cast %scan3A_500 : i32 to index
        %get3A_518 = arith.constant 32 : index
        %get3A_519 = tpu.vector_load %arg6[%get3A_516, %get3A_517, %get3A_518] {strides = array<i32>} : memref<4x200x64xf32, #tpu.memory_space<vmem>>, vector<1x1x16xf32>,
        %get3A_520 = vector.shape_cast %get3A_519 : vector<1x1x16xf32> to vector<16xf32>
        %add3A_521 = arith.addf %add3A_491, %get3A_520 : vector<16xf32>
        %get3A_522 = arith.constant 1 : i32
        %get3A_523 = arith.index_cast %get3A_522 : i32 to index
        %get3A_524 = arith.index_cast %scan3A_500 : i32 to index
        %get3A_525 = arith.constant 48 : index
        %get3A_526 = tpu.vector_load %arg6[%get3A_523, %get3A_524, %get3A_525] {strides = array<i32>} : memref<4x200x64xf32, #tpu.memory_space<vmem>>, vector<1x1x16xf32>,
        %get3A_527 = vector.shape_cast %get3A_526 : vector<1x1x16xf32> to vector<16xf32>
        %add3A_528 = arith.addf %add3A_498, %get3A_527 : vector<16xf32>
        %scan3A_529 = arith.constant 7 : i32
        %scan3A_530 = arith.addi %scan3A_317, %scan3A_529 : i32
        %get3A_531 = arith.constant 1 : i32
        %get3A_532 = arith.index_cast %get3A_531 : i32 to index
        %get3A_533 = arith.index_cast %scan3A_530 : i32 to index
        %get3A_534 = arith.constant 0 : index
        %get3A_535 = tpu.vector_load %arg6[%get3A_532, %get3A_533, %get3A_534] {strides = array<i32>} : memref<4x200x64xf32, #tpu.memory_space<vmem>>, vector<1x1x16xf32>,
        %get3A_536 = vector.shape_cast %get3A_535 : vector<1x1x16xf32> to vector<16xf32>
        %add3A_537 = arith.addf %add3A_507, %get3A_536 : vector<16xf32>
        %get3A_538 = arith.constant 1 : i32
        %get3A_539 = arith.index_cast %get3A_538 : i32 to index
        %get3A_540 = arith.index_cast %scan3A_530 : i32 to index
        %get3A_541 = arith.constant 16 : index
        %get3A_542 = tpu.vector_load %arg6[%get3A_539, %get3A_540, %get3A_541] {strides = array<i32>} : memref<4x200x64xf32, #tpu.memory_space<vmem>>, vector<1x1x16xf32>,
        %get3A_543 = vector.shape_cast %get3A_542 : vector<1x1x16xf32> to vector<16xf32>
        %add3A_544 = arith.addf %add3A_514, %get3A_543 : vector<16xf32>
        %get3A_545 = arith.constant 1 : i32
        %get3A_546 = arith.index_cast %get3A_545 : i32 to index
        %get3A_547 = arith.index_cast %scan3A_530 : i32 to index
        %get3A_548 = arith.constant 32 : index
        %get3A_549 = tpu.vector_load %arg6[%get3A_546, %get3A_547, %get3A_548] {strides = array<i32>} : memref<4x200x64xf32, #tpu.memory_space<vmem>>, vector<1x1x16xf32>,
        %get3A_550 = vector.shape_cast %get3A_549 : vector<1x1x16xf32> to vector<16xf32>
        %add3A_551 = arith.addf %add3A_521, %get3A_550 : vector<16xf32>
        %get3A_552 = arith.constant 1 : i32
        %get3A_553 = arith.index_cast %get3A_552 : i32 to index
        %get3A_554 = arith.index_cast %scan3A_530 : i32 to index
        %get3A_555 = arith.constant 48 : index
        %get3A_556 = tpu.vector_load %arg6[%get3A_553, %get3A_554, %get3A_555] {strides = array<i32>} : memref<4x200x64xf32, #tpu.memory_space<vmem>>, vector<1x1x16xf32>,
        %get3A_557 = vector.shape_cast %get3A_556 : vector<1x1x16xf32> to vector<16xf32>
        %add3A_558 = arith.addf %add3A_528, %get3A_557 : vector<16xf32>
        scf.yield %add3A_537, %add3A_544, %add3A_551, %add3A_558 : vector<16xf32>, vector<16xf32>, vector<16xf32>, vector<16xf32>
      }
      %scan3A_179 = arith.constant 200 : i32
      %swap3A_180 = arith.index_cast %add3A_171 : i32 to index
      %swap3A_181 = arith.constant 0 : index
      %swap3A_182 = tpu.vector_load %arg7[%swap3A_180, %swap3A_181] {strides = array<i32>} : memref<128x64xf32, #tpu.memory_space<vmem>>, vector<1x16xf32>,
      %swap3A_183 = vector.shape_cast %swap3A_182 : vector<1x16xf32> to vector<16xf32>
      %swap3A_184 = vector.shape_cast %scan3A_178#0 : vector<16xf32> to vector<1x16xf32>
      tpu.vector_store %arg7[%swap3A_180, %swap3A_181], %swap3A_184 {strides = array<i32>} : memref<128x64xf32, #tpu.memory_space<vmem>>, vector<1x16xf32>,
      %swap3A_185 = arith.index_cast %add3A_171 : i32 to index
      %swap3A_186 = arith.constant 16 : index
      %swap3A_187 = tpu.vector_load %arg7[%swap3A_185, %swap3A_186] {strides = array<i32>} : memref<128x64xf32, #tpu.memory_space<vmem>>, vector<1x16xf32>,
      %swap3A_188 = vector.shape_cast %swap3A_187 : vector<1x16xf32> to vector<16xf32>
      %swap3A_189 = vector.shape_cast %scan3A_178#1 : vector<16xf32> to vector<1x16xf32>
      tpu.vector_store %arg7[%swap3A_185, %swap3A_186], %swap3A_189 {strides = array<i32>} : memref<128x64xf32, #tpu.memory_space<vmem>>, vector<1x16xf32>,
      %swap3A_190 = arith.index_cast %add3A_171 : i32 to index
      %swap3A_191 = arith.constant 32 : index
      %swap3A_192 = tpu.vector_load %arg7[%swap3A_190, %swap3A_191] {strides = array<i32>} : memref<128x64xf32, #tpu.memory_space<vmem>>, vector<1x16xf32>,
      %swap3A_193 = vector.shape_cast %swap3A_192 : vector<1x16xf32> to vector<16xf32>
      %swap3A_194 = vector.shape_cast %scan3A_178#2 : vector<16xf32> to vector<1x16xf32>
      tpu.vector_store %arg7[%swap3A_190, %swap3A_191], %swap3A_194 {strides = array<i32>} : memref<128x64xf32, #tpu.memory_space<vmem>>, vector<1x16xf32>,
      %swap3A_195 = arith.index_cast %add3A_171 : i32 to index
      %swap3A_196 = arith.constant 48 : index
      %swap3A_197 = tpu.vector_load %arg7[%swap3A_195, %swap3A_196] {strides = array<i32>} : memref<128x64xf32, #tpu.memory_space<vmem>>, vector<1x16xf32>,
      %swap3A_198 = vector.shape_cast %swap3A_197 : vector<1x16xf32> to vector<16xf32>
      %swap3A_199 = vector.shape_cast %scan3A_178#3 : vector<16xf32> to vector<1x16xf32>
      tpu.vector_store %arg7[%swap3A_195, %swap3A_196], %swap3A_199 {strides = array<i32>} : memref<128x64xf32, #tpu.memory_space<vmem>>, vector<1x16xf32>,
      %add3A_200 = arith.constant 1 : i32
      %add3A_201 = arith.addi %add3A_106, %add3A_200 : i32
      %add3A_202 = arith.constant 4 : i32
      %add3A_203 = arith.addi %add3A_201, %add3A_202 : i32
      %lt3A_204 = arith.constant 128 : i32
      %lt3A_205 = arith.cmpi slt, %add3A_203, %lt3A_204 : i32
      %convert_element_type3A_206 = arith.extui %lt3A_205 : i1 to i32
      %cond3A_207 = arith.constant 0 : i32
      %cond3A_208 = arith.cmpi ne, %convert_element_type3A_206, %cond3A_207 : i32
      scf.if %cond3A_208 {
        %add3A_317 = arith.constant 1 : i32
        %add3A_318 = arith.addi %add3A_106, %add3A_317 : i32
        %add3A_319 = arith.constant 4 : i32
        %add3A_320 = arith.addi %add3A_318, %add3A_319 : i32
        %dma_start3A_321 = arith.constant 1 : i32
        %dma_start3A_322 = arith.constant 0 : i32
        %dma_start3A_323 = arith.constant 0 : i32
        %dma_start3A_324 = tpu.memref_slice %arg6[%dma_start3A_321, %dma_start3A_322, %dma_start3A_323] : memref<4x200x64xf32, #tpu.memory_space<vmem>> -> memref<1x104x64xf32, #tpu.memory_space<vmem>>
        %dma_start3A_325 = tpu.memref_squeeze %dma_start3A_324 : memref<1x104x64xf32, #tpu.memory_space<vmem>> -> memref<104x64xf32, #tpu.memory_space<vmem>>
        %dma_start3A_326 = arith.constant 0 : i32
        %dma_start3A_327 = tpu.memref_slice %arg5[%add3A_320, %dma_start3A_326] : memref<128x200xi32, #tpu.memory_space<vmem>> -> memref<1x104xi32, #tpu.memory_space<vmem>>
        %dma_start3A_328 = tpu.memref_squeeze %dma_start3A_327 : memref<1x104xi32, #tpu.memory_space<vmem>> -> memref<104xi32, #tpu.memory_space<vmem>>
        %dma_start3A_329 = arith.constant 0 : i32
        %dma_start3A_330 = arith.constant 0 : i32
        %dma_start3A_331 = tpu.memref_slice %arg2[%dma_start3A_329, %dma_start3A_330] : memref<100000x64xf32, #tpu.memory_space<hbm>> -> memref<100000x64xf32, #tpu.memory_space<hbm>>
        tpu.enqueue_indirect_dma source(%dma_start3A_331 : memref<100000x64xf32, #tpu.memory_space<hbm>>) target(%dma_start3A_325 : memref<104x64xf32, #tpu.memory_space<vmem>>) offsets(%dma_start3A_328 : memref<104xi32, #tpu.memory_space<vmem>>) semaphore(%arg9 : memref<!tpu.dma_semaphore, #tpu.memory_space<semaphore_mem>>)
        %dma_start3A_332 = arith.constant 1 : i32
        %dma_start3A_333 = arith.constant 104 : i32
        %dma_start3A_334 = arith.constant 0 : i32
        %dma_start3A_335 = tpu.memref_slice %arg6[%dma_start3A_332, %dma_start3A_333, %dma_start3A_334] : memref<4x200x64xf32, #tpu.memory_space<vmem>> -> memref<1x96x64xf32, #tpu.memory_space<vmem>>
        %dma_start3A_336 = tpu.memref_squeeze %dma_start3A_335 : memref<1x96x64xf32, #tpu.memory_space<vmem>> -> memref<96x64xf32, #tpu.memory_space<vmem>>
        %dma_start3A_337 = arith.constant 104 : i32
        %dma_start3A_338 = tpu.memref_slice %arg5[%add3A_320, %dma_start3A_337] : memref<128x200xi32, #tpu.memory_space<vmem>> -> memref<1x96xi32, #tpu.memory_space<vmem>>
        %dma_start3A_339 = tpu.memref_squeeze %dma_start3A_338 : memref<1x96xi32, #tpu.memory_space<vmem>> -> memref<96xi32, #tpu.memory_space<vmem>>
        %dma_start3A_340 = arith.constant 0 : i32
        %dma_start3A_341 = arith.constant 0 : i32
        %dma_start3A_342 = tpu.memref_slice %arg2[%dma_start3A_340, %dma_start3A_341] : memref<100000x64xf32, #tpu.memory_space<hbm>> -> memref<100000x64xf32, #tpu.memory_space<hbm>>
        tpu.enqueue_indirect_dma source(%dma_start3A_342 : memref<100000x64xf32, #tpu.memory_space<hbm>>) target(%dma_start3A_336 : memref<96x64xf32, #tpu.memory_space<vmem>>) offsets(%dma_start3A_339 : memref<96xi32, #tpu.memory_space<vmem>>) semaphore(%arg9 : memref<!tpu.dma_semaphore, #tpu.memory_space<semaphore_mem>>)
      } else {
      }
      %dma_wait3A_209 = arith.constant 2 : i32
      %dma_wait3A_210 = arith.constant 0 : i32
      %dma_wait3A_211 = arith.constant 0 : i32
      %dma_wait3A_212 = tpu.memref_slice %arg6[%dma_wait3A_209, %dma_wait3A_210, %dma_wait3A_211] : memref<4x200x64xf32, #tpu.memory_space<vmem>> -> memref<1x200x64xf32, #tpu.memory_space<vmem>>
      %dma_wait3A_213 = tpu.memref_squeeze %dma_wait3A_212 : memref<1x200x64xf32, #tpu.memory_space<vmem>> -> memref<200x64xf32, #tpu.memory_space<vmem>>
      %dma_wait3A_214 = arith.constant 0 : i32
      %dma_wait3A_215 = arith.constant 0 : i32
      %dma_wait3A_216 = tpu.memref_slice %arg2[%dma_wait3A_214, %dma_wait3A_215] : memref<100000x64xf32, #tpu.memory_space<hbm>> -> memref<200x64xf32, #tpu.memory_space<hbm>>
      %dma_wait3A_217 = arith.constant 0 : i32
      %dma_wait3A_218 = arith.constant 0 : i32
      %dma_wait3A_219 = tpu.memref_slice %arg6[%dma_wait3A_209, %dma_wait3A_217, %dma_wait3A_218] : memref<4x200x64xf32, #tpu.memory_space<vmem>> -> memref<1x200x64xf32, #tpu.memory_space<vmem>>
      %dma_wait3A_220 = tpu.memref_squeeze %dma_wait3A_219 : memref<1x200x64xf32, #tpu.memory_space<vmem>> -> memref<200x64xf32, #tpu.memory_space<vmem>>
      %dma_wait3A_221 = arith.constant 0 : i32
      %dma_wait3A_222 = arith.constant 0 : i32
      %dma_wait3A_223 = tpu.memref_slice %arg2[%dma_wait3A_221, %dma_wait3A_222] : memref<100000x64xf32, #tpu.memory_space<hbm>> -> memref<200x64xf32, #tpu.memory_space<hbm>>
      tpu.wait_dma2 semaphore(%arg10 : memref<!tpu.dma_semaphore, #tpu.memory_space<semaphore_mem>>) src(%dma_wait3A_223 : memref<200x64xf32, #tpu.memory_space<hbm>>) dst(%dma_wait3A_220 : memref<200x64xf32, #tpu.memory_space<vmem>>)
      %add3A_224 = arith.constant 2 : i32
      %add3A_225 = arith.addi %add3A_106, %add3A_224 : i32
      %broadcast_in_dim3A_226 = arith.constant 0.000000e+00 : f32
      %broadcast_in_dim3A_227 = vector.broadcast %broadcast_in_dim3A_226 : f32 to vector<16xf32>
      %scan3A_228 = arith.constant 0 : i32
      %scan3A_229 = arith.constant 200 : i32
      %scan3A_230 = arith.addi %scan3A_228, %scan3A_229 : i32
      %scan3A_231 = arith.constant 8 : i32
      %scan3A_232:4 = scf.for %scan3A_317 = %scan3A_228 to %scan3A_230 step %scan3A_231 iter_args(%scan3A_318 = %broadcast_in_dim3A_227, %scan3A_319 = %broadcast_in_dim3A_227, %scan3A_320 = %broadcast_in_dim3A_227, %scan3A_321 = %broadcast_in_dim3A_227) -> (vector<16xf32>, vector<16xf32>, vector<16xf32>, vector<16xf32>)  : i32 {
        %get3A = arith.constant 2 : i32
        %get3A_322 = arith.index_cast %get3A : i32 to index
        %get3A_323 = arith.index_cast %scan3A_317 : i32 to index
        %get3A_324 = arith.constant 0 : index
        %get3A_325 = tpu.vector_load %arg6[%get3A_322, %get3A_323, %get3A_324] {strides = array<i32>} : memref<4x200x64xf32, #tpu.memory_space<vmem>>, vector<1x1x16xf32>,
        %get3A_326 = vector.shape_cast %get3A_325 : vector<1x1x16xf32> to vector<16xf32>
        %add3A_327 = arith.addf %scan3A_318, %get3A_326 : vector<16xf32>
        %get3A_328 = arith.constant 2 : i32
        %get3A_329 = arith.index_cast %get3A_328 : i32 to index
        %get3A_330 = arith.index_cast %scan3A_317 : i32 to index
        %get3A_331 = arith.constant 16 : index
        %get3A_332 = tpu.vector_load %arg6[%get3A_329, %get3A_330, %get3A_331] {strides = array<i32>} : memref<4x200x64xf32, #tpu.memory_space<vmem>>, vector<1x1x16xf32>,
        %get3A_333 = vector.shape_cast %get3A_332 : vector<1x1x16xf32> to vector<16xf32>
        %add3A_334 = arith.addf %scan3A_319, %get3A_333 : vector<16xf32>
        %get3A_335 = arith.constant 2 : i32
        %get3A_336 = arith.index_cast %get3A_335 : i32 to index
        %get3A_337 = arith.index_cast %scan3A_317 : i32 to index
        %get3A_338 = arith.constant 32 : index
        %get3A_339 = tpu.vector_load %arg6[%get3A_336, %get3A_337, %get3A_338] {strides = array<i32>} : memref<4x200x64xf32, #tpu.memory_space<vmem>>, vector<1x1x16xf32>,
        %get3A_340 = vector.shape_cast %get3A_339 : vector<1x1x16xf32> to vector<16xf32>
        %add3A_341 = arith.addf %scan3A_320, %get3A_340 : vector<16xf32>
        %get3A_342 = arith.constant 2 : i32
        %get3A_343 = arith.index_cast %get3A_342 : i32 to index
        %get3A_344 = arith.index_cast %scan3A_317 : i32 to index
        %get3A_345 = arith.constant 48 : index
        %get3A_346 = tpu.vector_load %arg6[%get3A_343, %get3A_344, %get3A_345] {strides = array<i32>} : memref<4x200x64xf32, #tpu.memory_space<vmem>>, vector<1x1x16xf32>,
        %get3A_347 = vector.shape_cast %get3A_346 : vector<1x1x16xf32> to vector<16xf32>
        %add3A_348 = arith.addf %scan3A_321, %get3A_347 : vector<16xf32>
        %scan3A_349 = arith.constant 1 : i32
        %scan3A_350 = arith.addi %scan3A_317, %scan3A_349 : i32
        %get3A_351 = arith.constant 2 : i32
        %get3A_352 = arith.index_cast %get3A_351 : i32 to index
        %get3A_353 = arith.index_cast %scan3A_350 : i32 to index
        %get3A_354 = arith.constant 0 : index
        %get3A_355 = tpu.vector_load %arg6[%get3A_352, %get3A_353, %get3A_354] {strides = array<i32>} : memref<4x200x64xf32, #tpu.memory_space<vmem>>, vector<1x1x16xf32>,
        %get3A_356 = vector.shape_cast %get3A_355 : vector<1x1x16xf32> to vector<16xf32>
        %add3A_357 = arith.addf %add3A_327, %get3A_356 : vector<16xf32>
        %get3A_358 = arith.constant 2 : i32
        %get3A_359 = arith.index_cast %get3A_358 : i32 to index
        %get3A_360 = arith.index_cast %scan3A_350 : i32 to index
        %get3A_361 = arith.constant 16 : index
        %get3A_362 = tpu.vector_load %arg6[%get3A_359, %get3A_360, %get3A_361] {strides = array<i32>} : memref<4x200x64xf32, #tpu.memory_space<vmem>>, vector<1x1x16xf32>,
        %get3A_363 = vector.shape_cast %get3A_362 : vector<1x1x16xf32> to vector<16xf32>
        %add3A_364 = arith.addf %add3A_334, %get3A_363 : vector<16xf32>
        %get3A_365 = arith.constant 2 : i32
        %get3A_366 = arith.index_cast %get3A_365 : i32 to index
        %get3A_367 = arith.index_cast %scan3A_350 : i32 to index
        %get3A_368 = arith.constant 32 : index
        %get3A_369 = tpu.vector_load %arg6[%get3A_366, %get3A_367, %get3A_368] {strides = array<i32>} : memref<4x200x64xf32, #tpu.memory_space<vmem>>, vector<1x1x16xf32>,
        %get3A_370 = vector.shape_cast %get3A_369 : vector<1x1x16xf32> to vector<16xf32>
        %add3A_371 = arith.addf %add3A_341, %get3A_370 : vector<16xf32>
        %get3A_372 = arith.constant 2 : i32
        %get3A_373 = arith.index_cast %get3A_372 : i32 to index
        %get3A_374 = arith.index_cast %scan3A_350 : i32 to index
        %get3A_375 = arith.constant 48 : index
        %get3A_376 = tpu.vector_load %arg6[%get3A_373, %get3A_374, %get3A_375] {strides = array<i32>} : memref<4x200x64xf32, #tpu.memory_space<vmem>>, vector<1x1x16xf32>,
        %get3A_377 = vector.shape_cast %get3A_376 : vector<1x1x16xf32> to vector<16xf32>
        %add3A_378 = arith.addf %add3A_348, %get3A_377 : vector<16xf32>
        %scan3A_379 = arith.constant 2 : i32
        %scan3A_380 = arith.addi %scan3A_317, %scan3A_379 : i32
        %get3A_381 = arith.constant 2 : i32
        %get3A_382 = arith.index_cast %get3A_381 : i32 to index
        %get3A_383 = arith.index_cast %scan3A_380 : i32 to index
        %get3A_384 = arith.constant 0 : index
        %get3A_385 = tpu.vector_load %arg6[%get3A_382, %get3A_383, %get3A_384] {strides = array<i32>} : memref<4x200x64xf32, #tpu.memory_space<vmem>>, vector<1x1x16xf32>,
        %get3A_386 = vector.shape_cast %get3A_385 : vector<1x1x16xf32> to vector<16xf32>
        %add3A_387 = arith.addf %add3A_357, %get3A_386 : vector<16xf32>
        %get3A_388 = arith.constant 2 : i32
        %get3A_389 = arith.index_cast %get3A_388 : i32 to index
        %get3A_390 = arith.index_cast %scan3A_380 : i32 to index
        %get3A_391 = arith.constant 16 : index
        %get3A_392 = tpu.vector_load %arg6[%get3A_389, %get3A_390, %get3A_391] {strides = array<i32>} : memref<4x200x64xf32, #tpu.memory_space<vmem>>, vector<1x1x16xf32>,
        %get3A_393 = vector.shape_cast %get3A_392 : vector<1x1x16xf32> to vector<16xf32>
        %add3A_394 = arith.addf %add3A_364, %get3A_393 : vector<16xf32>
        %get3A_395 = arith.constant 2 : i32
        %get3A_396 = arith.index_cast %get3A_395 : i32 to index
        %get3A_397 = arith.index_cast %scan3A_380 : i32 to index
        %get3A_398 = arith.constant 32 : index
        %get3A_399 = tpu.vector_load %arg6[%get3A_396, %get3A_397, %get3A_398] {strides = array<i32>} : memref<4x200x64xf32, #tpu.memory_space<vmem>>, vector<1x1x16xf32>,
        %get3A_400 = vector.shape_cast %get3A_399 : vector<1x1x16xf32> to vector<16xf32>
        %add3A_401 = arith.addf %add3A_371, %get3A_400 : vector<16xf32>
        %get3A_402 = arith.constant 2 : i32
        %get3A_403 = arith.index_cast %get3A_402 : i32 to index
        %get3A_404 = arith.index_cast %scan3A_380 : i32 to index
        %get3A_405 = arith.constant 48 : index
        %get3A_406 = tpu.vector_load %arg6[%get3A_403, %get3A_404, %get3A_405] {strides = array<i32>} : memref<4x200x64xf32, #tpu.memory_space<vmem>>, vector<1x1x16xf32>,
        %get3A_407 = vector.shape_cast %get3A_406 : vector<1x1x16xf32> to vector<16xf32>
        %add3A_408 = arith.addf %add3A_378, %get3A_407 : vector<16xf32>
        %scan3A_409 = arith.constant 3 : i32
        %scan3A_410 = arith.addi %scan3A_317, %scan3A_409 : i32
        %get3A_411 = arith.constant 2 : i32
        %get3A_412 = arith.index_cast %get3A_411 : i32 to index
        %get3A_413 = arith.index_cast %scan3A_410 : i32 to index
        %get3A_414 = arith.constant 0 : index
        %get3A_415 = tpu.vector_load %arg6[%get3A_412, %get3A_413, %get3A_414] {strides = array<i32>} : memref<4x200x64xf32, #tpu.memory_space<vmem>>, vector<1x1x16xf32>,
        %get3A_416 = vector.shape_cast %get3A_415 : vector<1x1x16xf32> to vector<16xf32>
        %add3A_417 = arith.addf %add3A_387, %get3A_416 : vector<16xf32>
        %get3A_418 = arith.constant 2 : i32
        %get3A_419 = arith.index_cast %get3A_418 : i32 to index
        %get3A_420 = arith.index_cast %scan3A_410 : i32 to index
        %get3A_421 = arith.constant 16 : index
        %get3A_422 = tpu.vector_load %arg6[%get3A_419, %get3A_420, %get3A_421] {strides = array<i32>} : memref<4x200x64xf32, #tpu.memory_space<vmem>>, vector<1x1x16xf32>,
        %get3A_423 = vector.shape_cast %get3A_422 : vector<1x1x16xf32> to vector<16xf32>
        %add3A_424 = arith.addf %add3A_394, %get3A_423 : vector<16xf32>
        %get3A_425 = arith.constant 2 : i32
        %get3A_426 = arith.index_cast %get3A_425 : i32 to index
        %get3A_427 = arith.index_cast %scan3A_410 : i32 to index
        %get3A_428 = arith.constant 32 : index
        %get3A_429 = tpu.vector_load %arg6[%get3A_426, %get3A_427, %get3A_428] {strides = array<i32>} : memref<4x200x64xf32, #tpu.memory_space<vmem>>, vector<1x1x16xf32>,
        %get3A_430 = vector.shape_cast %get3A_429 : vector<1x1x16xf32> to vector<16xf32>
        %add3A_431 = arith.addf %add3A_401, %get3A_430 : vector<16xf32>
        %get3A_432 = arith.constant 2 : i32
        %get3A_433 = arith.index_cast %get3A_432 : i32 to index
        %get3A_434 = arith.index_cast %scan3A_410 : i32 to index
        %get3A_435 = arith.constant 48 : index
        %get3A_436 = tpu.vector_load %arg6[%get3A_433, %get3A_434, %get3A_435] {strides = array<i32>} : memref<4x200x64xf32, #tpu.memory_space<vmem>>, vector<1x1x16xf32>,
        %get3A_437 = vector.shape_cast %get3A_436 : vector<1x1x16xf32> to vector<16xf32>
        %add3A_438 = arith.addf %add3A_408, %get3A_437 : vector<16xf32>
        %scan3A_439 = arith.constant 4 : i32
        %scan3A_440 = arith.addi %scan3A_317, %scan3A_439 : i32
        %get3A_441 = arith.constant 2 : i32
        %get3A_442 = arith.index_cast %get3A_441 : i32 to index
        %get3A_443 = arith.index_cast %scan3A_440 : i32 to index
        %get3A_444 = arith.constant 0 : index
        %get3A_445 = tpu.vector_load %arg6[%get3A_442, %get3A_443, %get3A_444] {strides = array<i32>} : memref<4x200x64xf32, #tpu.memory_space<vmem>>, vector<1x1x16xf32>,
        %get3A_446 = vector.shape_cast %get3A_445 : vector<1x1x16xf32> to vector<16xf32>
        %add3A_447 = arith.addf %add3A_417, %get3A_446 : vector<16xf32>
        %get3A_448 = arith.constant 2 : i32
        %get3A_449 = arith.index_cast %get3A_448 : i32 to index
        %get3A_450 = arith.index_cast %scan3A_440 : i32 to index
        %get3A_451 = arith.constant 16 : index
        %get3A_452 = tpu.vector_load %arg6[%get3A_449, %get3A_450, %get3A_451] {strides = array<i32>} : memref<4x200x64xf32, #tpu.memory_space<vmem>>, vector<1x1x16xf32>,
        %get3A_453 = vector.shape_cast %get3A_452 : vector<1x1x16xf32> to vector<16xf32>
        %add3A_454 = arith.addf %add3A_424, %get3A_453 : vector<16xf32>
        %get3A_455 = arith.constant 2 : i32
        %get3A_456 = arith.index_cast %get3A_455 : i32 to index
        %get3A_457 = arith.index_cast %scan3A_440 : i32 to index
        %get3A_458 = arith.constant 32 : index
        %get3A_459 = tpu.vector_load %arg6[%get3A_456, %get3A_457, %get3A_458] {strides = array<i32>} : memref<4x200x64xf32, #tpu.memory_space<vmem>>, vector<1x1x16xf32>,
        %get3A_460 = vector.shape_cast %get3A_459 : vector<1x1x16xf32> to vector<16xf32>
        %add3A_461 = arith.addf %add3A_431, %get3A_460 : vector<16xf32>
        %get3A_462 = arith.constant 2 : i32
        %get3A_463 = arith.index_cast %get3A_462 : i32 to index
        %get3A_464 = arith.index_cast %scan3A_440 : i32 to index
        %get3A_465 = arith.constant 48 : index
        %get3A_466 = tpu.vector_load %arg6[%get3A_463, %get3A_464, %get3A_465] {strides = array<i32>} : memref<4x200x64xf32, #tpu.memory_space<vmem>>, vector<1x1x16xf32>,
        %get3A_467 = vector.shape_cast %get3A_466 : vector<1x1x16xf32> to vector<16xf32>
        %add3A_468 = arith.addf %add3A_438, %get3A_467 : vector<16xf32>
        %scan3A_469 = arith.constant 5 : i32
        %scan3A_470 = arith.addi %scan3A_317, %scan3A_469 : i32
        %get3A_471 = arith.constant 2 : i32
        %get3A_472 = arith.index_cast %get3A_471 : i32 to index
        %get3A_473 = arith.index_cast %scan3A_470 : i32 to index
        %get3A_474 = arith.constant 0 : index
        %get3A_475 = tpu.vector_load %arg6[%get3A_472, %get3A_473, %get3A_474] {strides = array<i32>} : memref<4x200x64xf32, #tpu.memory_space<vmem>>, vector<1x1x16xf32>,
        %get3A_476 = vector.shape_cast %get3A_475 : vector<1x1x16xf32> to vector<16xf32>
        %add3A_477 = arith.addf %add3A_447, %get3A_476 : vector<16xf32>
        %get3A_478 = arith.constant 2 : i32
        %get3A_479 = arith.index_cast %get3A_478 : i32 to index
        %get3A_480 = arith.index_cast %scan3A_470 : i32 to index
        %get3A_481 = arith.constant 16 : index
        %get3A_482 = tpu.vector_load %arg6[%get3A_479, %get3A_480, %get3A_481] {strides = array<i32>} : memref<4x200x64xf32, #tpu.memory_space<vmem>>, vector<1x1x16xf32>,
        %get3A_483 = vector.shape_cast %get3A_482 : vector<1x1x16xf32> to vector<16xf32>
        %add3A_484 = arith.addf %add3A_454, %get3A_483 : vector<16xf32>
        %get3A_485 = arith.constant 2 : i32
        %get3A_486 = arith.index_cast %get3A_485 : i32 to index
        %get3A_487 = arith.index_cast %scan3A_470 : i32 to index
        %get3A_488 = arith.constant 32 : index
        %get3A_489 = tpu.vector_load %arg6[%get3A_486, %get3A_487, %get3A_488] {strides = array<i32>} : memref<4x200x64xf32, #tpu.memory_space<vmem>>, vector<1x1x16xf32>,
        %get3A_490 = vector.shape_cast %get3A_489 : vector<1x1x16xf32> to vector<16xf32>
        %add3A_491 = arith.addf %add3A_461, %get3A_490 : vector<16xf32>
        %get3A_492 = arith.constant 2 : i32
        %get3A_493 = arith.index_cast %get3A_492 : i32 to index
        %get3A_494 = arith.index_cast %scan3A_470 : i32 to index
        %get3A_495 = arith.constant 48 : index
        %get3A_496 = tpu.vector_load %arg6[%get3A_493, %get3A_494, %get3A_495] {strides = array<i32>} : memref<4x200x64xf32, #tpu.memory_space<vmem>>, vector<1x1x16xf32>,
        %get3A_497 = vector.shape_cast %get3A_496 : vector<1x1x16xf32> to vector<16xf32>
        %add3A_498 = arith.addf %add3A_468, %get3A_497 : vector<16xf32>
        %scan3A_499 = arith.constant 6 : i32
        %scan3A_500 = arith.addi %scan3A_317, %scan3A_499 : i32
        %get3A_501 = arith.constant 2 : i32
        %get3A_502 = arith.index_cast %get3A_501 : i32 to index
        %get3A_503 = arith.index_cast %scan3A_500 : i32 to index
        %get3A_504 = arith.constant 0 : index
        %get3A_505 = tpu.vector_load %arg6[%get3A_502, %get3A_503, %get3A_504] {strides = array<i32>} : memref<4x200x64xf32, #tpu.memory_space<vmem>>, vector<1x1x16xf32>,
        %get3A_506 = vector.shape_cast %get3A_505 : vector<1x1x16xf32> to vector<16xf32>
        %add3A_507 = arith.addf %add3A_477, %get3A_506 : vector<16xf32>
        %get3A_508 = arith.constant 2 : i32
        %get3A_509 = arith.index_cast %get3A_508 : i32 to index
        %get3A_510 = arith.index_cast %scan3A_500 : i32 to index
        %get3A_511 = arith.constant 16 : index
        %get3A_512 = tpu.vector_load %arg6[%get3A_509, %get3A_510, %get3A_511] {strides = array<i32>} : memref<4x200x64xf32, #tpu.memory_space<vmem>>, vector<1x1x16xf32>,
        %get3A_513 = vector.shape_cast %get3A_512 : vector<1x1x16xf32> to vector<16xf32>
        %add3A_514 = arith.addf %add3A_484, %get3A_513 : vector<16xf32>
        %get3A_515 = arith.constant 2 : i32
        %get3A_516 = arith.index_cast %get3A_515 : i32 to index
        %get3A_517 = arith.index_cast %scan3A_500 : i32 to index
        %get3A_518 = arith.constant 32 : index
        %get3A_519 = tpu.vector_load %arg6[%get3A_516, %get3A_517, %get3A_518] {strides = array<i32>} : memref<4x200x64xf32, #tpu.memory_space<vmem>>, vector<1x1x16xf32>,
        %get3A_520 = vector.shape_cast %get3A_519 : vector<1x1x16xf32> to vector<16xf32>
        %add3A_521 = arith.addf %add3A_491, %get3A_520 : vector<16xf32>
        %get3A_522 = arith.constant 2 : i32
        %get3A_523 = arith.index_cast %get3A_522 : i32 to index
        %get3A_524 = arith.index_cast %scan3A_500 : i32 to index
        %get3A_525 = arith.constant 48 : index
        %get3A_526 = tpu.vector_load %arg6[%get3A_523, %get3A_524, %get3A_525] {strides = array<i32>} : memref<4x200x64xf32, #tpu.memory_space<vmem>>, vector<1x1x16xf32>,
        %get3A_527 = vector.shape_cast %get3A_526 : vector<1x1x16xf32> to vector<16xf32>
        %add3A_528 = arith.addf %add3A_498, %get3A_527 : vector<16xf32>
        %scan3A_529 = arith.constant 7 : i32
        %scan3A_530 = arith.addi %scan3A_317, %scan3A_529 : i32
        %get3A_531 = arith.constant 2 : i32
        %get3A_532 = arith.index_cast %get3A_531 : i32 to index
        %get3A_533 = arith.index_cast %scan3A_530 : i32 to index
        %get3A_534 = arith.constant 0 : index
        %get3A_535 = tpu.vector_load %arg6[%get3A_532, %get3A_533, %get3A_534] {strides = array<i32>} : memref<4x200x64xf32, #tpu.memory_space<vmem>>, vector<1x1x16xf32>,
        %get3A_536 = vector.shape_cast %get3A_535 : vector<1x1x16xf32> to vector<16xf32>
        %add3A_537 = arith.addf %add3A_507, %get3A_536 : vector<16xf32>
        %get3A_538 = arith.constant 2 : i32
        %get3A_539 = arith.index_cast %get3A_538 : i32 to index
        %get3A_540 = arith.index_cast %scan3A_530 : i32 to index
        %get3A_541 = arith.constant 16 : index
        %get3A_542 = tpu.vector_load %arg6[%get3A_539, %get3A_540, %get3A_541] {strides = array<i32>} : memref<4x200x64xf32, #tpu.memory_space<vmem>>, vector<1x1x16xf32>,
        %get3A_543 = vector.shape_cast %get3A_542 : vector<1x1x16xf32> to vector<16xf32>
        %add3A_544 = arith.addf %add3A_514, %get3A_543 : vector<16xf32>
        %get3A_545 = arith.constant 2 : i32
        %get3A_546 = arith.index_cast %get3A_545 : i32 to index
        %get3A_547 = arith.index_cast %scan3A_530 : i32 to index
        %get3A_548 = arith.constant 32 : index
        %get3A_549 = tpu.vector_load %arg6[%get3A_546, %get3A_547, %get3A_548] {strides = array<i32>} : memref<4x200x64xf32, #tpu.memory_space<vmem>>, vector<1x1x16xf32>,
        %get3A_550 = vector.shape_cast %get3A_549 : vector<1x1x16xf32> to vector<16xf32>
        %add3A_551 = arith.addf %add3A_521, %get3A_550 : vector<16xf32>
        %get3A_552 = arith.constant 2 : i32
        %get3A_553 = arith.index_cast %get3A_552 : i32 to index
        %get3A_554 = arith.index_cast %scan3A_530 : i32 to index
        %get3A_555 = arith.constant 48 : index
        %get3A_556 = tpu.vector_load %arg6[%get3A_553, %get3A_554, %get3A_555] {strides = array<i32>} : memref<4x200x64xf32, #tpu.memory_space<vmem>>, vector<1x1x16xf32>,
        %get3A_557 = vector.shape_cast %get3A_556 : vector<1x1x16xf32> to vector<16xf32>
        %add3A_558 = arith.addf %add3A_528, %get3A_557 : vector<16xf32>
        scf.yield %add3A_537, %add3A_544, %add3A_551, %add3A_558 : vector<16xf32>, vector<16xf32>, vector<16xf32>, vector<16xf32>
      }
      %scan3A_233 = arith.constant 200 : i32
      %swap3A_234 = arith.index_cast %add3A_225 : i32 to index
      %swap3A_235 = arith.constant 0 : index
      %swap3A_236 = tpu.vector_load %arg7[%swap3A_234, %swap3A_235] {strides = array<i32>} : memref<128x64xf32, #tpu.memory_space<vmem>>, vector<1x16xf32>,
      %swap3A_237 = vector.shape_cast %swap3A_236 : vector<1x16xf32> to vector<16xf32>
      %swap3A_238 = vector.shape_cast %scan3A_232#0 : vector<16xf32> to vector<1x16xf32>
      tpu.vector_store %arg7[%swap3A_234, %swap3A_235], %swap3A_238 {strides = array<i32>} : memref<128x64xf32, #tpu.memory_space<vmem>>, vector<1x16xf32>,
      %swap3A_239 = arith.index_cast %add3A_225 : i32 to index
      %swap3A_240 = arith.constant 16 : index
      %swap3A_241 = tpu.vector_load %arg7[%swap3A_239, %swap3A_240] {strides = array<i32>} : memref<128x64xf32, #tpu.memory_space<vmem>>, vector<1x16xf32>,
      %swap3A_242 = vector.shape_cast %swap3A_241 : vector<1x16xf32> to vector<16xf32>
      %swap3A_243 = vector.shape_cast %scan3A_232#1 : vector<16xf32> to vector<1x16xf32>
      tpu.vector_store %arg7[%swap3A_239, %swap3A_240], %swap3A_243 {strides = array<i32>} : memref<128x64xf32, #tpu.memory_space<vmem>>, vector<1x16xf32>,
      %swap3A_244 = arith.index_cast %add3A_225 : i32 to index
      %swap3A_245 = arith.constant 32 : index
      %swap3A_246 = tpu.vector_load %arg7[%swap3A_244, %swap3A_245] {strides = array<i32>} : memref<128x64xf32, #tpu.memory_space<vmem>>, vector<1x16xf32>,
      %swap3A_247 = vector.shape_cast %swap3A_246 : vector<1x16xf32> to vector<16xf32>
      %swap3A_248 = vector.shape_cast %scan3A_232#2 : vector<16xf32> to vector<1x16xf32>
      tpu.vector_store %arg7[%swap3A_244, %swap3A_245], %swap3A_248 {strides = array<i32>} : memref<128x64xf32, #tpu.memory_space<vmem>>, vector<1x16xf32>,
      %swap3A_249 = arith.index_cast %add3A_225 : i32 to index
      %swap3A_250 = arith.constant 48 : index
      %swap3A_251 = tpu.vector_load %arg7[%swap3A_249, %swap3A_250] {strides = array<i32>} : memref<128x64xf32, #tpu.memory_space<vmem>>, vector<1x16xf32>,
      %swap3A_252 = vector.shape_cast %swap3A_251 : vector<1x16xf32> to vector<16xf32>
      %swap3A_253 = vector.shape_cast %scan3A_232#3 : vector<16xf32> to vector<1x16xf32>
      tpu.vector_store %arg7[%swap3A_249, %swap3A_250], %swap3A_253 {strides = array<i32>} : memref<128x64xf32, #tpu.memory_space<vmem>>, vector<1x16xf32>,
      %add3A_254 = arith.constant 2 : i32
      %add3A_255 = arith.addi %add3A_106, %add3A_254 : i32
      %add3A_256 = arith.constant 4 : i32
      %add3A_257 = arith.addi %add3A_255, %add3A_256 : i32
      %lt3A_258 = arith.constant 128 : i32
      %lt3A_259 = arith.cmpi slt, %add3A_257, %lt3A_258 : i32
      %convert_element_type3A_260 = arith.extui %lt3A_259 : i1 to i32
      %cond3A_261 = arith.constant 0 : i32
      %cond3A_262 = arith.cmpi ne, %convert_element_type3A_260, %cond3A_261 : i32
      scf.if %cond3A_262 {
        %add3A_317 = arith.constant 2 : i32
        %add3A_318 = arith.addi %add3A_106, %add3A_317 : i32
        %add3A_319 = arith.constant 4 : i32
        %add3A_320 = arith.addi %add3A_318, %add3A_319 : i32
        %dma_start3A_321 = arith.constant 2 : i32
        %dma_start3A_322 = arith.constant 0 : i32
        %dma_start3A_323 = arith.constant 0 : i32
        %dma_start3A_324 = tpu.memref_slice %arg6[%dma_start3A_321, %dma_start3A_322, %dma_start3A_323] : memref<4x200x64xf32, #tpu.memory_space<vmem>> -> memref<1x104x64xf32, #tpu.memory_space<vmem>>
        %dma_start3A_325 = tpu.memref_squeeze %dma_start3A_324 : memref<1x104x64xf32, #tpu.memory_space<vmem>> -> memref<104x64xf32, #tpu.memory_space<vmem>>
        %dma_start3A_326 = arith.constant 0 : i32
        %dma_start3A_327 = tpu.memref_slice %arg5[%add3A_320, %dma_start3A_326] : memref<128x200xi32, #tpu.memory_space<vmem>> -> memref<1x104xi32, #tpu.memory_space<vmem>>
        %dma_start3A_328 = tpu.memref_squeeze %dma_start3A_327 : memref<1x104xi32, #tpu.memory_space<vmem>> -> memref<104xi32, #tpu.memory_space<vmem>>
        %dma_start3A_329 = arith.constant 0 : i32
        %dma_start3A_330 = arith.constant 0 : i32
        %dma_start3A_331 = tpu.memref_slice %arg2[%dma_start3A_329, %dma_start3A_330] : memref<100000x64xf32, #tpu.memory_space<hbm>> -> memref<100000x64xf32, #tpu.memory_space<hbm>>
        tpu.enqueue_indirect_dma source(%dma_start3A_331 : memref<100000x64xf32, #tpu.memory_space<hbm>>) target(%dma_start3A_325 : memref<104x64xf32, #tpu.memory_space<vmem>>) offsets(%dma_start3A_328 : memref<104xi32, #tpu.memory_space<vmem>>) semaphore(%arg10 : memref<!tpu.dma_semaphore, #tpu.memory_space<semaphore_mem>>)
        %dma_start3A_332 = arith.constant 2 : i32
        %dma_start3A_333 = arith.constant 104 : i32
        %dma_start3A_334 = arith.constant 0 : i32
        %dma_start3A_335 = tpu.memref_slice %arg6[%dma_start3A_332, %dma_start3A_333, %dma_start3A_334] : memref<4x200x64xf32, #tpu.memory_space<vmem>> -> memref<1x96x64xf32, #tpu.memory_space<vmem>>
        %dma_start3A_336 = tpu.memref_squeeze %dma_start3A_335 : memref<1x96x64xf32, #tpu.memory_space<vmem>> -> memref<96x64xf32, #tpu.memory_space<vmem>>
        %dma_start3A_337 = arith.constant 104 : i32
        %dma_start3A_338 = tpu.memref_slice %arg5[%add3A_320, %dma_start3A_337] : memref<128x200xi32, #tpu.memory_space<vmem>> -> memref<1x96xi32, #tpu.memory_space<vmem>>
        %dma_start3A_339 = tpu.memref_squeeze %dma_start3A_338 : memref<1x96xi32, #tpu.memory_space<vmem>> -> memref<96xi32, #tpu.memory_space<vmem>>
        %dma_start3A_340 = arith.constant 0 : i32
        %dma_start3A_341 = arith.constant 0 : i32
        %dma_start3A_342 = tpu.memref_slice %arg2[%dma_start3A_340, %dma_start3A_341] : memref<100000x64xf32, #tpu.memory_space<hbm>> -> memref<100000x64xf32, #tpu.memory_space<hbm>>
        tpu.enqueue_indirect_dma source(%dma_start3A_342 : memref<100000x64xf32, #tpu.memory_space<hbm>>) target(%dma_start3A_336 : memref<96x64xf32, #tpu.memory_space<vmem>>) offsets(%dma_start3A_339 : memref<96xi32, #tpu.memory_space<vmem>>) semaphore(%arg10 : memref<!tpu.dma_semaphore, #tpu.memory_space<semaphore_mem>>)
      } else {
      }
      %dma_wait3A_263 = arith.constant 3 : i32
      %dma_wait3A_264 = arith.constant 0 : i32
      %dma_wait3A_265 = arith.constant 0 : i32
      %dma_wait3A_266 = tpu.memref_slice %arg6[%dma_wait3A_263, %dma_wait3A_264, %dma_wait3A_265] : memref<4x200x64xf32, #tpu.memory_space<vmem>> -> memref<1x200x64xf32, #tpu.memory_space<vmem>>
      %dma_wait3A_267 = tpu.memref_squeeze %dma_wait3A_266 : memref<1x200x64xf32, #tpu.memory_space<vmem>> -> memref<200x64xf32, #tpu.memory_space<vmem>>
      %dma_wait3A_268 = arith.constant 0 : i32
      %dma_wait3A_269 = arith.constant 0 : i32
      %dma_wait3A_270 = tpu.memref_slice %arg2[%dma_wait3A_268, %dma_wait3A_269] : memref<100000x64xf32, #tpu.memory_space<hbm>> -> memref<200x64xf32, #tpu.memory_space<hbm>>
      %dma_wait3A_271 = arith.constant 0 : i32
      %dma_wait3A_272 = arith.constant 0 : i32
      %dma_wait3A_273 = tpu.memref_slice %arg6[%dma_wait3A_263, %dma_wait3A_271, %dma_wait3A_272] : memref<4x200x64xf32, #tpu.memory_space<vmem>> -> memref<1x200x64xf32, #tpu.memory_space<vmem>>
      %dma_wait3A_274 = tpu.memref_squeeze %dma_wait3A_273 : memref<1x200x64xf32, #tpu.memory_space<vmem>> -> memref<200x64xf32, #tpu.memory_space<vmem>>
      %dma_wait3A_275 = arith.constant 0 : i32
      %dma_wait3A_276 = arith.constant 0 : i32
      %dma_wait3A_277 = tpu.memref_slice %arg2[%dma_wait3A_275, %dma_wait3A_276] : memref<100000x64xf32, #tpu.memory_space<hbm>> -> memref<200x64xf32, #tpu.memory_space<hbm>>
      tpu.wait_dma2 semaphore(%arg11 : memref<!tpu.dma_semaphore, #tpu.memory_space<semaphore_mem>>) src(%dma_wait3A_277 : memref<200x64xf32, #tpu.memory_space<hbm>>) dst(%dma_wait3A_274 : memref<200x64xf32, #tpu.memory_space<vmem>>)
      %add3A_278 = arith.constant 3 : i32
      %add3A_279 = arith.addi %add3A_106, %add3A_278 : i32
      %broadcast_in_dim3A_280 = arith.constant 0.000000e+00 : f32
      %broadcast_in_dim3A_281 = vector.broadcast %broadcast_in_dim3A_280 : f32 to vector<16xf32>
      %scan3A_282 = arith.constant 0 : i32
      %scan3A_283 = arith.constant 200 : i32
      %scan3A_284 = arith.addi %scan3A_282, %scan3A_283 : i32
      %scan3A_285 = arith.constant 8 : i32
      %scan3A_286:4 = scf.for %scan3A_317 = %scan3A_282 to %scan3A_284 step %scan3A_285 iter_args(%scan3A_318 = %broadcast_in_dim3A_281, %scan3A_319 = %broadcast_in_dim3A_281, %scan3A_320 = %broadcast_in_dim3A_281, %scan3A_321 = %broadcast_in_dim3A_281) -> (vector<16xf32>, vector<16xf32>, vector<16xf32>, vector<16xf32>)  : i32 {
        %get3A = arith.constant 3 : i32
        %get3A_322 = arith.index_cast %get3A : i32 to index
        %get3A_323 = arith.index_cast %scan3A_317 : i32 to index
        %get3A_324 = arith.constant 0 : index
        %get3A_325 = tpu.vector_load %arg6[%get3A_322, %get3A_323, %get3A_324] {strides = array<i32>} : memref<4x200x64xf32, #tpu.memory_space<vmem>>, vector<1x1x16xf32>,
        %get3A_326 = vector.shape_cast %get3A_325 : vector<1x1x16xf32> to vector<16xf32>
        %add3A_327 = arith.addf %scan3A_318, %get3A_326 : vector<16xf32>
        %get3A_328 = arith.constant 3 : i32
        %get3A_329 = arith.index_cast %get3A_328 : i32 to index
        %get3A_330 = arith.index_cast %scan3A_317 : i32 to index
        %get3A_331 = arith.constant 16 : index
        %get3A_332 = tpu.vector_load %arg6[%get3A_329, %get3A_330, %get3A_331] {strides = array<i32>} : memref<4x200x64xf32, #tpu.memory_space<vmem>>, vector<1x1x16xf32>,
        %get3A_333 = vector.shape_cast %get3A_332 : vector<1x1x16xf32> to vector<16xf32>
        %add3A_334 = arith.addf %scan3A_319, %get3A_333 : vector<16xf32>
        %get3A_335 = arith.constant 3 : i32
        %get3A_336 = arith.index_cast %get3A_335 : i32 to index
        %get3A_337 = arith.index_cast %scan3A_317 : i32 to index
        %get3A_338 = arith.constant 32 : index
        %get3A_339 = tpu.vector_load %arg6[%get3A_336, %get3A_337, %get3A_338] {strides = array<i32>} : memref<4x200x64xf32, #tpu.memory_space<vmem>>, vector<1x1x16xf32>,
        %get3A_340 = vector.shape_cast %get3A_339 : vector<1x1x16xf32> to vector<16xf32>
        %add3A_341 = arith.addf %scan3A_320, %get3A_340 : vector<16xf32>
        %get3A_342 = arith.constant 3 : i32
        %get3A_343 = arith.index_cast %get3A_342 : i32 to index
        %get3A_344 = arith.index_cast %scan3A_317 : i32 to index
        %get3A_345 = arith.constant 48 : index
        %get3A_346 = tpu.vector_load %arg6[%get3A_343, %get3A_344, %get3A_345] {strides = array<i32>} : memref<4x200x64xf32, #tpu.memory_space<vmem>>, vector<1x1x16xf32>,
        %get3A_347 = vector.shape_cast %get3A_346 : vector<1x1x16xf32> to vector<16xf32>
        %add3A_348 = arith.addf %scan3A_321, %get3A_347 : vector<16xf32>
        %scan3A_349 = arith.constant 1 : i32
        %scan3A_350 = arith.addi %scan3A_317, %scan3A_349 : i32
        %get3A_351 = arith.constant 3 : i32
        %get3A_352 = arith.index_cast %get3A_351 : i32 to index
        %get3A_353 = arith.index_cast %scan3A_350 : i32 to index
        %get3A_354 = arith.constant 0 : index
        %get3A_355 = tpu.vector_load %arg6[%get3A_352, %get3A_353, %get3A_354] {strides = array<i32>} : memref<4x200x64xf32, #tpu.memory_space<vmem>>, vector<1x1x16xf32>,
        %get3A_356 = vector.shape_cast %get3A_355 : vector<1x1x16xf32> to vector<16xf32>
        %add3A_357 = arith.addf %add3A_327, %get3A_356 : vector<16xf32>
        %get3A_358 = arith.constant 3 : i32
        %get3A_359 = arith.index_cast %get3A_358 : i32 to index
        %get3A_360 = arith.index_cast %scan3A_350 : i32 to index
        %get3A_361 = arith.constant 16 : index
        %get3A_362 = tpu.vector_load %arg6[%get3A_359, %get3A_360, %get3A_361] {strides = array<i32>} : memref<4x200x64xf32, #tpu.memory_space<vmem>>, vector<1x1x16xf32>,
        %get3A_363 = vector.shape_cast %get3A_362 : vector<1x1x16xf32> to vector<16xf32>
        %add3A_364 = arith.addf %add3A_334, %get3A_363 : vector<16xf32>
        %get3A_365 = arith.constant 3 : i32
        %get3A_366 = arith.index_cast %get3A_365 : i32 to index
        %get3A_367 = arith.index_cast %scan3A_350 : i32 to index
        %get3A_368 = arith.constant 32 : index
        %get3A_369 = tpu.vector_load %arg6[%get3A_366, %get3A_367, %get3A_368] {strides = array<i32>} : memref<4x200x64xf32, #tpu.memory_space<vmem>>, vector<1x1x16xf32>,
        %get3A_370 = vector.shape_cast %get3A_369 : vector<1x1x16xf32> to vector<16xf32>
        %add3A_371 = arith.addf %add3A_341, %get3A_370 : vector<16xf32>
        %get3A_372 = arith.constant 3 : i32
        %get3A_373 = arith.index_cast %get3A_372 : i32 to index
        %get3A_374 = arith.index_cast %scan3A_350 : i32 to index
        %get3A_375 = arith.constant 48 : index
        %get3A_376 = tpu.vector_load %arg6[%get3A_373, %get3A_374, %get3A_375] {strides = array<i32>} : memref<4x200x64xf32, #tpu.memory_space<vmem>>, vector<1x1x16xf32>,
        %get3A_377 = vector.shape_cast %get3A_376 : vector<1x1x16xf32> to vector<16xf32>
        %add3A_378 = arith.addf %add3A_348, %get3A_377 : vector<16xf32>
        %scan3A_379 = arith.constant 2 : i32
        %scan3A_380 = arith.addi %scan3A_317, %scan3A_379 : i32
        %get3A_381 = arith.constant 3 : i32
        %get3A_382 = arith.index_cast %get3A_381 : i32 to index
        %get3A_383 = arith.index_cast %scan3A_380 : i32 to index
        %get3A_384 = arith.constant 0 : index
        %get3A_385 = tpu.vector_load %arg6[%get3A_382, %get3A_383, %get3A_384] {strides = array<i32>} : memref<4x200x64xf32, #tpu.memory_space<vmem>>, vector<1x1x16xf32>,
        %get3A_386 = vector.shape_cast %get3A_385 : vector<1x1x16xf32> to vector<16xf32>
        %add3A_387 = arith.addf %add3A_357, %get3A_386 : vector<16xf32>
        %get3A_388 = arith.constant 3 : i32
        %get3A_389 = arith.index_cast %get3A_388 : i32 to index
        %get3A_390 = arith.index_cast %scan3A_380 : i32 to index
        %get3A_391 = arith.constant 16 : index
        %get3A_392 = tpu.vector_load %arg6[%get3A_389, %get3A_390, %get3A_391] {strides = array<i32>} : memref<4x200x64xf32, #tpu.memory_space<vmem>>, vector<1x1x16xf32>,
        %get3A_393 = vector.shape_cast %get3A_392 : vector<1x1x16xf32> to vector<16xf32>
        %add3A_394 = arith.addf %add3A_364, %get3A_393 : vector<16xf32>
        %get3A_395 = arith.constant 3 : i32
        %get3A_396 = arith.index_cast %get3A_395 : i32 to index
        %get3A_397 = arith.index_cast %scan3A_380 : i32 to index
        %get3A_398 = arith.constant 32 : index
        %get3A_399 = tpu.vector_load %arg6[%get3A_396, %get3A_397, %get3A_398] {strides = array<i32>} : memref<4x200x64xf32, #tpu.memory_space<vmem>>, vector<1x1x16xf32>,
        %get3A_400 = vector.shape_cast %get3A_399 : vector<1x1x16xf32> to vector<16xf32>
        %add3A_401 = arith.addf %add3A_371, %get3A_400 : vector<16xf32>
        %get3A_402 = arith.constant 3 : i32
        %get3A_403 = arith.index_cast %get3A_402 : i32 to index
        %get3A_404 = arith.index_cast %scan3A_380 : i32 to index
        %get3A_405 = arith.constant 48 : index
        %get3A_406 = tpu.vector_load %arg6[%get3A_403, %get3A_404, %get3A_405] {strides = array<i32>} : memref<4x200x64xf32, #tpu.memory_space<vmem>>, vector<1x1x16xf32>,
        %get3A_407 = vector.shape_cast %get3A_406 : vector<1x1x16xf32> to vector<16xf32>
        %add3A_408 = arith.addf %add3A_378, %get3A_407 : vector<16xf32>
        %scan3A_409 = arith.constant 3 : i32
        %scan3A_410 = arith.addi %scan3A_317, %scan3A_409 : i32
        %get3A_411 = arith.constant 3 : i32
        %get3A_412 = arith.index_cast %get3A_411 : i32 to index
        %get3A_413 = arith.index_cast %scan3A_410 : i32 to index
        %get3A_414 = arith.constant 0 : index
        %get3A_415 = tpu.vector_load %arg6[%get3A_412, %get3A_413, %get3A_414] {strides = array<i32>} : memref<4x200x64xf32, #tpu.memory_space<vmem>>, vector<1x1x16xf32>,
        %get3A_416 = vector.shape_cast %get3A_415 : vector<1x1x16xf32> to vector<16xf32>
        %add3A_417 = arith.addf %add3A_387, %get3A_416 : vector<16xf32>
        %get3A_418 = arith.constant 3 : i32
        %get3A_419 = arith.index_cast %get3A_418 : i32 to index
        %get3A_420 = arith.index_cast %scan3A_410 : i32 to index
        %get3A_421 = arith.constant 16 : index
        %get3A_422 = tpu.vector_load %arg6[%get3A_419, %get3A_420, %get3A_421] {strides = array<i32>} : memref<4x200x64xf32, #tpu.memory_space<vmem>>, vector<1x1x16xf32>,
        %get3A_423 = vector.shape_cast %get3A_422 : vector<1x1x16xf32> to vector<16xf32>
        %add3A_424 = arith.addf %add3A_394, %get3A_423 : vector<16xf32>
        %get3A_425 = arith.constant 3 : i32
        %get3A_426 = arith.index_cast %get3A_425 : i32 to index
        %get3A_427 = arith.index_cast %scan3A_410 : i32 to index
        %get3A_428 = arith.constant 32 : index
        %get3A_429 = tpu.vector_load %arg6[%get3A_426, %get3A_427, %get3A_428] {strides = array<i32>} : memref<4x200x64xf32, #tpu.memory_space<vmem>>, vector<1x1x16xf32>,
        %get3A_430 = vector.shape_cast %get3A_429 : vector<1x1x16xf32> to vector<16xf32>
        %add3A_431 = arith.addf %add3A_401, %get3A_430 : vector<16xf32>
        %get3A_432 = arith.constant 3 : i32
        %get3A_433 = arith.index_cast %get3A_432 : i32 to index
        %get3A_434 = arith.index_cast %scan3A_410 : i32 to index
        %get3A_435 = arith.constant 48 : index
        %get3A_436 = tpu.vector_load %arg6[%get3A_433, %get3A_434, %get3A_435] {strides = array<i32>} : memref<4x200x64xf32, #tpu.memory_space<vmem>>, vector<1x1x16xf32>,
        %get3A_437 = vector.shape_cast %get3A_436 : vector<1x1x16xf32> to vector<16xf32>
        %add3A_438 = arith.addf %add3A_408, %get3A_437 : vector<16xf32>
        %scan3A_439 = arith.constant 4 : i32
        %scan3A_440 = arith.addi %scan3A_317, %scan3A_439 : i32
        %get3A_441 = arith.constant 3 : i32
        %get3A_442 = arith.index_cast %get3A_441 : i32 to index
        %get3A_443 = arith.index_cast %scan3A_440 : i32 to index
        %get3A_444 = arith.constant 0 : index
        %get3A_445 = tpu.vector_load %arg6[%get3A_442, %get3A_443, %get3A_444] {strides = array<i32>} : memref<4x200x64xf32, #tpu.memory_space<vmem>>, vector<1x1x16xf32>,
        %get3A_446 = vector.shape_cast %get3A_445 : vector<1x1x16xf32> to vector<16xf32>
        %add3A_447 = arith.addf %add3A_417, %get3A_446 : vector<16xf32>
        %get3A_448 = arith.constant 3 : i32
        %get3A_449 = arith.index_cast %get3A_448 : i32 to index
        %get3A_450 = arith.index_cast %scan3A_440 : i32 to index
        %get3A_451 = arith.constant 16 : index
        %get3A_452 = tpu.vector_load %arg6[%get3A_449, %get3A_450, %get3A_451] {strides = array<i32>} : memref<4x200x64xf32, #tpu.memory_space<vmem>>, vector<1x1x16xf32>,
        %get3A_453 = vector.shape_cast %get3A_452 : vector<1x1x16xf32> to vector<16xf32>
        %add3A_454 = arith.addf %add3A_424, %get3A_453 : vector<16xf32>
        %get3A_455 = arith.constant 3 : i32
        %get3A_456 = arith.index_cast %get3A_455 : i32 to index
        %get3A_457 = arith.index_cast %scan3A_440 : i32 to index
        %get3A_458 = arith.constant 32 : index
        %get3A_459 = tpu.vector_load %arg6[%get3A_456, %get3A_457, %get3A_458] {strides = array<i32>} : memref<4x200x64xf32, #tpu.memory_space<vmem>>, vector<1x1x16xf32>,
        %get3A_460 = vector.shape_cast %get3A_459 : vector<1x1x16xf32> to vector<16xf32>
        %add3A_461 = arith.addf %add3A_431, %get3A_460 : vector<16xf32>
        %get3A_462 = arith.constant 3 : i32
        %get3A_463 = arith.index_cast %get3A_462 : i32 to index
        %get3A_464 = arith.index_cast %scan3A_440 : i32 to index
        %get3A_465 = arith.constant 48 : index
        %get3A_466 = tpu.vector_load %arg6[%get3A_463, %get3A_464, %get3A_465] {strides = array<i32>} : memref<4x200x64xf32, #tpu.memory_space<vmem>>, vector<1x1x16xf32>,
        %get3A_467 = vector.shape_cast %get3A_466 : vector<1x1x16xf32> to vector<16xf32>
        %add3A_468 = arith.addf %add3A_438, %get3A_467 : vector<16xf32>
        %scan3A_469 = arith.constant 5 : i32
        %scan3A_470 = arith.addi %scan3A_317, %scan3A_469 : i32
        %get3A_471 = arith.constant 3 : i32
        %get3A_472 = arith.index_cast %get3A_471 : i32 to index
        %get3A_473 = arith.index_cast %scan3A_470 : i32 to index
        %get3A_474 = arith.constant 0 : index
        %get3A_475 = tpu.vector_load %arg6[%get3A_472, %get3A_473, %get3A_474] {strides = array<i32>} : memref<4x200x64xf32, #tpu.memory_space<vmem>>, vector<1x1x16xf32>,
        %get3A_476 = vector.shape_cast %get3A_475 : vector<1x1x16xf32> to vector<16xf32>
        %add3A_477 = arith.addf %add3A_447, %get3A_476 : vector<16xf32>
        %get3A_478 = arith.constant 3 : i32
        %get3A_479 = arith.index_cast %get3A_478 : i32 to index
        %get3A_480 = arith.index_cast %scan3A_470 : i32 to index
        %get3A_481 = arith.constant 16 : index
        %get3A_482 = tpu.vector_load %arg6[%get3A_479, %get3A_480, %get3A_481] {strides = array<i32>} : memref<4x200x64xf32, #tpu.memory_space<vmem>>, vector<1x1x16xf32>,
        %get3A_483 = vector.shape_cast %get3A_482 : vector<1x1x16xf32> to vector<16xf32>
        %add3A_484 = arith.addf %add3A_454, %get3A_483 : vector<16xf32>
        %get3A_485 = arith.constant 3 : i32
        %get3A_486 = arith.index_cast %get3A_485 : i32 to index
        %get3A_487 = arith.index_cast %scan3A_470 : i32 to index
        %get3A_488 = arith.constant 32 : index
        %get3A_489 = tpu.vector_load %arg6[%get3A_486, %get3A_487, %get3A_488] {strides = array<i32>} : memref<4x200x64xf32, #tpu.memory_space<vmem>>, vector<1x1x16xf32>,
        %get3A_490 = vector.shape_cast %get3A_489 : vector<1x1x16xf32> to vector<16xf32>
        %add3A_491 = arith.addf %add3A_461, %get3A_490 : vector<16xf32>
        %get3A_492 = arith.constant 3 : i32
        %get3A_493 = arith.index_cast %get3A_492 : i32 to index
        %get3A_494 = arith.index_cast %scan3A_470 : i32 to index
        %get3A_495 = arith.constant 48 : index
        %get3A_496 = tpu.vector_load %arg6[%get3A_493, %get3A_494, %get3A_495] {strides = array<i32>} : memref<4x200x64xf32, #tpu.memory_space<vmem>>, vector<1x1x16xf32>,
        %get3A_497 = vector.shape_cast %get3A_496 : vector<1x1x16xf32> to vector<16xf32>
        %add3A_498 = arith.addf %add3A_468, %get3A_497 : vector<16xf32>
        %scan3A_499 = arith.constant 6 : i32
        %scan3A_500 = arith.addi %scan3A_317, %scan3A_499 : i32
        %get3A_501 = arith.constant 3 : i32
        %get3A_502 = arith.index_cast %get3A_501 : i32 to index
        %get3A_503 = arith.index_cast %scan3A_500 : i32 to index
        %get3A_504 = arith.constant 0 : index
        %get3A_505 = tpu.vector_load %arg6[%get3A_502, %get3A_503, %get3A_504] {strides = array<i32>} : memref<4x200x64xf32, #tpu.memory_space<vmem>>, vector<1x1x16xf32>,
        %get3A_506 = vector.shape_cast %get3A_505 : vector<1x1x16xf32> to vector<16xf32>
        %add3A_507 = arith.addf %add3A_477, %get3A_506 : vector<16xf32>
        %get3A_508 = arith.constant 3 : i32
        %get3A_509 = arith.index_cast %get3A_508 : i32 to index
        %get3A_510 = arith.index_cast %scan3A_500 : i32 to index
        %get3A_511 = arith.constant 16 : index
        %get3A_512 = tpu.vector_load %arg6[%get3A_509, %get3A_510, %get3A_511] {strides = array<i32>} : memref<4x200x64xf32, #tpu.memory_space<vmem>>, vector<1x1x16xf32>,
        %get3A_513 = vector.shape_cast %get3A_512 : vector<1x1x16xf32> to vector<16xf32>
        %add3A_514 = arith.addf %add3A_484, %get3A_513 : vector<16xf32>
        %get3A_515 = arith.constant 3 : i32
        %get3A_516 = arith.index_cast %get3A_515 : i32 to index
        %get3A_517 = arith.index_cast %scan3A_500 : i32 to index
        %get3A_518 = arith.constant 32 : index
        %get3A_519 = tpu.vector_load %arg6[%get3A_516, %get3A_517, %get3A_518] {strides = array<i32>} : memref<4x200x64xf32, #tpu.memory_space<vmem>>, vector<1x1x16xf32>,
        %get3A_520 = vector.shape_cast %get3A_519 : vector<1x1x16xf32> to vector<16xf32>
        %add3A_521 = arith.addf %add3A_491, %get3A_520 : vector<16xf32>
        %get3A_522 = arith.constant 3 : i32
        %get3A_523 = arith.index_cast %get3A_522 : i32 to index
        %get3A_524 = arith.index_cast %scan3A_500 : i32 to index
        %get3A_525 = arith.constant 48 : index
        %get3A_526 = tpu.vector_load %arg6[%get3A_523, %get3A_524, %get3A_525] {strides = array<i32>} : memref<4x200x64xf32, #tpu.memory_space<vmem>>, vector<1x1x16xf32>,
        %get3A_527 = vector.shape_cast %get3A_526 : vector<1x1x16xf32> to vector<16xf32>
        %add3A_528 = arith.addf %add3A_498, %get3A_527 : vector<16xf32>
        %scan3A_529 = arith.constant 7 : i32
        %scan3A_530 = arith.addi %scan3A_317, %scan3A_529 : i32
        %get3A_531 = arith.constant 3 : i32
        %get3A_532 = arith.index_cast %get3A_531 : i32 to index
        %get3A_533 = arith.index_cast %scan3A_530 : i32 to index
        %get3A_534 = arith.constant 0 : index
        %get3A_535 = tpu.vector_load %arg6[%get3A_532, %get3A_533, %get3A_534] {strides = array<i32>} : memref<4x200x64xf32, #tpu.memory_space<vmem>>, vector<1x1x16xf32>,
        %get3A_536 = vector.shape_cast %get3A_535 : vector<1x1x16xf32> to vector<16xf32>
        %add3A_537 = arith.addf %add3A_507, %get3A_536 : vector<16xf32>
        %get3A_538 = arith.constant 3 : i32
        %get3A_539 = arith.index_cast %get3A_538 : i32 to index
        %get3A_540 = arith.index_cast %scan3A_530 : i32 to index
        %get3A_541 = arith.constant 16 : index
        %get3A_542 = tpu.vector_load %arg6[%get3A_539, %get3A_540, %get3A_541] {strides = array<i32>} : memref<4x200x64xf32, #tpu.memory_space<vmem>>, vector<1x1x16xf32>,
        %get3A_543 = vector.shape_cast %get3A_542 : vector<1x1x16xf32> to vector<16xf32>
        %add3A_544 = arith.addf %add3A_514, %get3A_543 : vector<16xf32>
        %get3A_545 = arith.constant 3 : i32
        %get3A_546 = arith.index_cast %get3A_545 : i32 to index
        %get3A_547 = arith.index_cast %scan3A_530 : i32 to index
        %get3A_548 = arith.constant 32 : index
        %get3A_549 = tpu.vector_load %arg6[%get3A_546, %get3A_547, %get3A_548] {strides = array<i32>} : memref<4x200x64xf32, #tpu.memory_space<vmem>>, vector<1x1x16xf32>,
        %get3A_550 = vector.shape_cast %get3A_549 : vector<1x1x16xf32> to vector<16xf32>
        %add3A_551 = arith.addf %add3A_521, %get3A_550 : vector<16xf32>
        %get3A_552 = arith.constant 3 : i32
        %get3A_553 = arith.index_cast %get3A_552 : i32 to index
        %get3A_554 = arith.index_cast %scan3A_530 : i32 to index
        %get3A_555 = arith.constant 48 : index
        %get3A_556 = tpu.vector_load %arg6[%get3A_553, %get3A_554, %get3A_555] {strides = array<i32>} : memref<4x200x64xf32, #tpu.memory_space<vmem>>, vector<1x1x16xf32>,
        %get3A_557 = vector.shape_cast %get3A_556 : vector<1x1x16xf32> to vector<16xf32>
        %add3A_558 = arith.addf %add3A_528, %get3A_557 : vector<16xf32>
        scf.yield %add3A_537, %add3A_544, %add3A_551, %add3A_558 : vector<16xf32>, vector<16xf32>, vector<16xf32>, vector<16xf32>
      }
      %scan3A_287 = arith.constant 200 : i32
      %swap3A_288 = arith.index_cast %add3A_279 : i32 to index
      %swap3A_289 = arith.constant 0 : index
      %swap3A_290 = tpu.vector_load %arg7[%swap3A_288, %swap3A_289] {strides = array<i32>} : memref<128x64xf32, #tpu.memory_space<vmem>>, vector<1x16xf32>,
      %swap3A_291 = vector.shape_cast %swap3A_290 : vector<1x16xf32> to vector<16xf32>
      %swap3A_292 = vector.shape_cast %scan3A_286#0 : vector<16xf32> to vector<1x16xf32>
      tpu.vector_store %arg7[%swap3A_288, %swap3A_289], %swap3A_292 {strides = array<i32>} : memref<128x64xf32, #tpu.memory_space<vmem>>, vector<1x16xf32>,
      %swap3A_293 = arith.index_cast %add3A_279 : i32 to index
      %swap3A_294 = arith.constant 16 : index
      %swap3A_295 = tpu.vector_load %arg7[%swap3A_293, %swap3A_294] {strides = array<i32>} : memref<128x64xf32, #tpu.memory_space<vmem>>, vector<1x16xf32>,
      %swap3A_296 = vector.shape_cast %swap3A_295 : vector<1x16xf32> to vector<16xf32>
      %swap3A_297 = vector.shape_cast %scan3A_286#1 : vector<16xf32> to vector<1x16xf32>
      tpu.vector_store %arg7[%swap3A_293, %swap3A_294], %swap3A_297 {strides = array<i32>} : memref<128x64xf32, #tpu.memory_space<vmem>>, vector<1x16xf32>,
      %swap3A_298 = arith.index_cast %add3A_279 : i32 to index
      %swap3A_299 = arith.constant 32 : index
      %swap3A_300 = tpu.vector_load %arg7[%swap3A_298, %swap3A_299] {strides = array<i32>} : memref<128x64xf32, #tpu.memory_space<vmem>>, vector<1x16xf32>,
      %swap3A_301 = vector.shape_cast %swap3A_300 : vector<1x16xf32> to vector<16xf32>
      %swap3A_302 = vector.shape_cast %scan3A_286#2 : vector<16xf32> to vector<1x16xf32>
      tpu.vector_store %arg7[%swap3A_298, %swap3A_299], %swap3A_302 {strides = array<i32>} : memref<128x64xf32, #tpu.memory_space<vmem>>, vector<1x16xf32>,
      %swap3A_303 = arith.index_cast %add3A_279 : i32 to index
      %swap3A_304 = arith.constant 48 : index
      %swap3A_305 = tpu.vector_load %arg7[%swap3A_303, %swap3A_304] {strides = array<i32>} : memref<128x64xf32, #tpu.memory_space<vmem>>, vector<1x16xf32>,
      %swap3A_306 = vector.shape_cast %swap3A_305 : vector<1x16xf32> to vector<16xf32>
      %swap3A_307 = vector.shape_cast %scan3A_286#3 : vector<16xf32> to vector<1x16xf32>
      tpu.vector_store %arg7[%swap3A_303, %swap3A_304], %swap3A_307 {strides = array<i32>} : memref<128x64xf32, #tpu.memory_space<vmem>>, vector<1x16xf32>,
      %add3A_308 = arith.constant 3 : i32
      %add3A_309 = arith.addi %add3A_106, %add3A_308 : i32
      %add3A_310 = arith.constant 4 : i32
      %add3A_311 = arith.addi %add3A_309, %add3A_310 : i32
      %lt3A_312 = arith.constant 128 : i32
      %lt3A_313 = arith.cmpi slt, %add3A_311, %lt3A_312 : i32
      %convert_element_type3A_314 = arith.extui %lt3A_313 : i1 to i32
      %cond3A_315 = arith.constant 0 : i32
      %cond3A_316 = arith.cmpi ne, %convert_element_type3A_314, %cond3A_315 : i32
      scf.if %cond3A_316 {
        %add3A_317 = arith.constant 3 : i32
        %add3A_318 = arith.addi %add3A_106, %add3A_317 : i32
        %add3A_319 = arith.constant 4 : i32
        %add3A_320 = arith.addi %add3A_318, %add3A_319 : i32
        %dma_start3A_321 = arith.constant 3 : i32
        %dma_start3A_322 = arith.constant 0 : i32
        %dma_start3A_323 = arith.constant 0 : i32
        %dma_start3A_324 = tpu.memref_slice %arg6[%dma_start3A_321, %dma_start3A_322, %dma_start3A_323] : memref<4x200x64xf32, #tpu.memory_space<vmem>> -> memref<1x104x64xf32, #tpu.memory_space<vmem>>
        %dma_start3A_325 = tpu.memref_squeeze %dma_start3A_324 : memref<1x104x64xf32, #tpu.memory_space<vmem>> -> memref<104x64xf32, #tpu.memory_space<vmem>>
        %dma_start3A_326 = arith.constant 0 : i32
        %dma_start3A_327 = tpu.memref_slice %arg5[%add3A_320, %dma_start3A_326] : memref<128x200xi32, #tpu.memory_space<vmem>> -> memref<1x104xi32, #tpu.memory_space<vmem>>
        %dma_start3A_328 = tpu.memref_squeeze %dma_start3A_327 : memref<1x104xi32, #tpu.memory_space<vmem>> -> memref<104xi32, #tpu.memory_space<vmem>>
        %dma_start3A_329 = arith.constant 0 : i32
        %dma_start3A_330 = arith.constant 0 : i32
        %dma_start3A_331 = tpu.memref_slice %arg2[%dma_start3A_329, %dma_start3A_330] : memref<100000x64xf32, #tpu.memory_space<hbm>> -> memref<100000x64xf32, #tpu.memory_space<hbm>>
        tpu.enqueue_indirect_dma source(%dma_start3A_331 : memref<100000x64xf32, #tpu.memory_space<hbm>>) target(%dma_start3A_325 : memref<104x64xf32, #tpu.memory_space<vmem>>) offsets(%dma_start3A_328 : memref<104xi32, #tpu.memory_space<vmem>>) semaphore(%arg11 : memref<!tpu.dma_semaphore, #tpu.memory_space<semaphore_mem>>)
        %dma_start3A_332 = arith.constant 3 : i32
        %dma_start3A_333 = arith.constant 104 : i32
        %dma_start3A_334 = arith.constant 0 : i32
        %dma_start3A_335 = tpu.memref_slice %arg6[%dma_start3A_332, %dma_start3A_333, %dma_start3A_334] : memref<4x200x64xf32, #tpu.memory_space<vmem>> -> memref<1x96x64xf32, #tpu.memory_space<vmem>>
        %dma_start3A_336 = tpu.memref_squeeze %dma_start3A_335 : memref<1x96x64xf32, #tpu.memory_space<vmem>> -> memref<96x64xf32, #tpu.memory_space<vmem>>
        %dma_start3A_337 = arith.constant 104 : i32
        %dma_start3A_338 = tpu.memref_slice %arg5[%add3A_320, %dma_start3A_337] : memref<128x200xi32, #tpu.memory_space<vmem>> -> memref<1x96xi32, #tpu.memory_space<vmem>>
        %dma_start3A_339 = tpu.memref_squeeze %dma_start3A_338 : memref<1x96xi32, #tpu.memory_space<vmem>> -> memref<96xi32, #tpu.memory_space<vmem>>
        %dma_start3A_340 = arith.constant 0 : i32
        %dma_start3A_341 = arith.constant 0 : i32
        %dma_start3A_342 = tpu.memref_slice %arg2[%dma_start3A_340, %dma_start3A_341] : memref<100000x64xf32, #tpu.memory_space<hbm>> -> memref<100000x64xf32, #tpu.memory_space<hbm>>
        tpu.enqueue_indirect_dma source(%dma_start3A_342 : memref<100000x64xf32, #tpu.memory_space<hbm>>) target(%dma_start3A_336 : memref<96x64xf32, #tpu.memory_space<vmem>>) offsets(%dma_start3A_339 : memref<96xi32, #tpu.memory_space<vmem>>) semaphore(%arg11 : memref<!tpu.dma_semaphore, #tpu.memory_space<semaphore_mem>>)
      } else {
      }
    }
    %scan3A_101 = arith.constant 32 : i32
    "tpu.region"() ({
      %run_scoped3A = tpu.sem_alloc : memref<!tpu.dma_semaphore, #tpu.memory_space<semaphore_mem>>
      %dma_start3A_102 = arith.constant 0 : i32
      %dma_start3A_103 = tpu.memref_slice %arg4[%mul3A_2, %dma_start3A_102] : memref<4096x64xf32, #tpu.memory_space<hbm>> -> memref<128x64xf32, #tpu.memory_space<hbm>>
      %dma_start3A_104 = arith.constant 0 : i32
      %dma_start3A_105 = tpu.memref_slice %arg4[%mul3A_2, %dma_start3A_104] : memref<4096x64xf32, #tpu.memory_space<hbm>> -> memref<128x64xf32, #tpu.memory_space<hbm>>
      tpu.enqueue_dma source(%arg7 : memref<128x64xf32, #tpu.memory_space<vmem>>) target(%dma_start3A_105 : memref<128x64xf32, #tpu.memory_space<hbm>>) target_semaphore(%run_scoped3A : memref<!tpu.dma_semaphore, #tpu.memory_space<semaphore_mem>>)
      %dma_wait3A = arith.constant 0 : i32
      %dma_wait3A_106 = tpu.memref_slice %arg4[%mul3A_2, %dma_wait3A] : memref<4096x64xf32, #tpu.memory_space<hbm>> -> memref<128x64xf32, #tpu.memory_space<hbm>>
      %dma_wait3A_107 = arith.constant 0 : i32
      %dma_wait3A_108 = tpu.memref_slice %arg4[%mul3A_2, %dma_wait3A_107] : memref<4096x64xf32, #tpu.memory_space<hbm>> -> memref<128x64xf32, #tpu.memory_space<hbm>>
      tpu.wait_dma2 semaphore(%run_scoped3A : memref<!tpu.dma_semaphore, #tpu.memory_space<semaphore_mem>>) src(%arg7 : memref<128x64xf32, #tpu.memory_space<vmem>>) dst(%dma_wait3A_108 : memref<128x64xf32, #tpu.memory_space<hbm>>)
      tpu.yield
    }) : () -> ()
    return
  }
}

module attributes {stable_mosaic.version = 14 : i64} {
  func.func @_cat_body(%arg0: memref<4096x200xi32, #tpu.memory_space<vmem>>, %arg1: memref<4096x26xf32, #tpu.memory_space<vmem>>, %arg2: memref<26x128xf32, #tpu.memory_space<vmem>>, %arg3: memref<1x128xf32, #tpu.memory_space<vmem>>, %arg4: memref<1x128xf32, #tpu.memory_space<vmem>>, %arg5: memref<1x128xf32, #tpu.memory_space<vmem>>, %arg6: memref<128x256xf32, #tpu.memory_space<vmem>>, %arg7: memref<1x256xf32, #tpu.memory_space<vmem>>, %arg8: memref<4096x256xf32, #tpu.memory_space<vmem>>, %arg9: memref<4096x1xf32, #tpu.memory_space<vmem>>) attributes {dimension_semantics = [], scalar_prefetch = 0 : i64, scratch_operands = 0 : i64, tpu.core_type = #tpu.core_type<tc>} {
    %get3A = arith.constant 0 : index
    %get3A_0 = arith.constant 0 : index
    %get3A_1 = vector.load %arg0[%get3A, %get3A_0] : memref<4096x200xi32, #tpu.memory_space<vmem>>, vector<4096x200xi32>
    %ne3A = arith.constant 0 : i32
    %ne3A_2 = vector.broadcast %ne3A : i32 to vector<4096x200xi32>
    %ne3A_3 = arith.cmpi ne, %get3A_1, %ne3A_2 : vector<4096x200xi32>
    %convert_element_type3A = arith.extui %ne3A_3 : vector<4096x200xi1> to vector<4096x200xi32>
    %convert_element_type3A_4 = arith.sitofp %convert_element_type3A : vector<4096x200xi32> to vector<4096x200xf32>
    %reduce_sum3A = arith.constant dense<0.000000e+00> : vector<4096xf32>
    %reduce_sum3A_5 = vector.multi_reduction <add>, %convert_element_type3A_4, %reduce_sum3A [1] : vector<4096x200xf32> to vector<4096xf32>
    %broadcast_in_dim3A = vector.shape_cast %reduce_sum3A_5 : vector<4096xf32> to vector<4096x1xf32>
    %swap3A = arith.constant 0 : index
    %swap3A_6 = arith.constant 0 : index
    %swap3A_7 = vector.load %arg9[%swap3A, %swap3A_6] : memref<4096x1xf32, #tpu.memory_space<vmem>>, vector<4096x1xf32>
    tpu.vector_store %arg9[%swap3A, %swap3A_6], %broadcast_in_dim3A {strides = array<i32>} : memref<4096x1xf32, #tpu.memory_space<vmem>>, vector<4096x1xf32>,
    %get3A_8 = arith.constant 0 : index
    %get3A_9 = arith.constant 0 : index
    %get3A_10 = vector.load %arg1[%get3A_8, %get3A_9] : memref<4096x26xf32, #tpu.memory_space<vmem>>, vector<4096x26xf32>
    %get3A_11 = arith.constant 0 : index
    %get3A_12 = arith.constant 0 : index
    %get3A_13 = vector.load %arg2[%get3A_11, %get3A_12] : memref<26x128xf32, #tpu.memory_space<vmem>>, vector<26x128xf32>
    %dot_general3A = arith.constant dense<0.000000e+00> : vector<4096x128xf32>
    %dot_general3A_14 = tpu.matmul %get3A_10, %get3A_13, %dot_general3A {dimension_numbers = #tpu.dot_dimension_numbers<[1], [0], [0], [1], [0, 0, 1, 1], [], []>, precision = #tpu.contract_precision<fp32>, transpose_lhs_hint = false} : vector<4096x26xf32>, vector<26x128xf32>, vector<4096x128xf32> -> vector<4096x128xf32>
    %get3A_15 = arith.constant 0 : index
    %get3A_16 = arith.constant 0 : index
    %get3A_17 = vector.load %arg3[%get3A_15, %get3A_16] : memref<1x128xf32, #tpu.memory_space<vmem>>, vector<1x128xf32>
    %add3A = vector.broadcast %get3A_17 : vector<1x128xf32> to vector<4096x128xf32>
    %add3A_18 = arith.addf %dot_general3A_14, %add3A : vector<4096x128xf32>
    %get3A_19 = arith.constant 0 : index
    %get3A_20 = arith.constant 0 : index
    %get3A_21 = vector.load %arg4[%get3A_19, %get3A_20] : memref<1x128xf32, #tpu.memory_space<vmem>>, vector<1x128xf32>
    %get3A_22 = arith.constant 0 : index
    %get3A_23 = arith.constant 0 : index
    %get3A_24 = vector.load %arg5[%get3A_22, %get3A_23] : memref<1x128xf32, #tpu.memory_space<vmem>>, vector<1x128xf32>
    %reduce_sum3A_25 = arith.constant dense<0.000000e+00> : vector<128xf32>
    %reduce_sum3A_26 = vector.multi_reduction <add>, %add3A_18, %reduce_sum3A_25 [0] : vector<4096x128xf32> to vector<128xf32>
    %div3A = arith.constant 4.096000e+03 : f32
    %div3A_27 = vector.broadcast %div3A : f32 to vector<128xf32>
    %div3A_28 = arith.divf %reduce_sum3A_26, %div3A_27 : vector<128xf32>
    %jit3A = arith.constant 0 : i32
    %reduce_sum3A_29 = arith.constant dense<0.000000e+00> : vector<128xf32>
    %reduce_sum3A_30 = vector.multi_reduction <add>, %add3A_18, %reduce_sum3A_29 [0] : vector<4096x128xf32> to vector<128xf32>
    %broadcast_in_dim3A_31 = vector.shape_cast %reduce_sum3A_30 : vector<128xf32> to vector<1x128xf32>
    %div3A_32 = arith.constant 4.096000e+03 : f32
    %div3A_33 = vector.broadcast %div3A_32 : f32 to vector<1x128xf32>
    %div3A_34 = arith.divf %broadcast_in_dim3A_31, %div3A_33 : vector<1x128xf32>
    %sub3A = vector.broadcast %div3A_34 : vector<1x128xf32> to vector<4096x128xf32>
    %sub3A_35 = arith.subf %add3A_18, %sub3A : vector<4096x128xf32>
    %square3A = arith.mulf %sub3A_35, %sub3A_35 : vector<4096x128xf32>
    %convert_element_type3A_36 = arith.sitofp %jit3A : i32 to f32
    %sub3A_37 = arith.constant 4.096000e+03 : f32
    %sub3A_38 = arith.subf %sub3A_37, %convert_element_type3A_36 : f32
    %reduce_sum3A_39 = arith.constant dense<0.000000e+00> : vector<128xf32>
    %reduce_sum3A_40 = vector.multi_reduction <add>, %square3A, %reduce_sum3A_39 [0] : vector<4096x128xf32> to vector<128xf32>
    %div3A_41 = vector.broadcast %sub3A_38 : f32 to vector<128xf32>
    %div3A_42 = arith.divf %reduce_sum3A_40, %div3A_41 : vector<128xf32>
    %gt3A = arith.constant 0.000000e+00 : f32
    %gt3A_43 = arith.cmpf ogt, %sub3A_38, %gt3A : f32
    %jit3A_44 = arith.constant 0x7FC00000 : f32
    %broadcast_in_dim3A_45 = vector.broadcast %jit3A_44 : f32 to vector<128xf32>
    %select_n3A = arith.select %gt3A_43, %div3A_42, %broadcast_in_dim3A_45 : vector<128xf32>
    %broadcast_in_dim3A_46 = vector.shape_cast %div3A_28 : vector<128xf32> to vector<1x128xf32>
    %sub3A_47 = vector.broadcast %broadcast_in_dim3A_46 : vector<1x128xf32> to vector<4096x128xf32>
    %sub3A_48 = arith.subf %add3A_18, %sub3A_47 : vector<4096x128xf32>
    %mul3A = vector.broadcast %get3A_21 : vector<1x128xf32> to vector<4096x128xf32>
    %mul3A_49 = arith.mulf %mul3A, %sub3A_48 : vector<4096x128xf32>
    %add3A_50 = arith.constant 9.99999974E-6 : f32
    %add3A_51 = vector.broadcast %add3A_50 : f32 to vector<128xf32>
    %add3A_52 = arith.addf %select_n3A, %add3A_51 : vector<128xf32>
    %sqrt3A = math.sqrt %add3A_52 : vector<128xf32>
    %broadcast_in_dim3A_53 = vector.shape_cast %sqrt3A : vector<128xf32> to vector<1x128xf32>
    %div3A_54 = vector.broadcast %broadcast_in_dim3A_53 : vector<1x128xf32> to vector<4096x128xf32>
    %div3A_55 = arith.divf %mul3A_49, %div3A_54 : vector<4096x128xf32>
    %add3A_56 = vector.broadcast %get3A_24 : vector<1x128xf32> to vector<4096x128xf32>
    %add3A_57 = arith.addf %div3A_55, %add3A_56 : vector<4096x128xf32>
    %max3A = arith.constant 0.000000e+00 : f32
    %max3A_58 = vector.broadcast %max3A : f32 to vector<4096x128xf32>
    %max3A_59 = arith.maximumf %add3A_57, %max3A_58 : vector<4096x128xf32>
    %get3A_60 = arith.constant 0 : index
    %get3A_61 = arith.constant 0 : index
    %get3A_62 = vector.load %arg6[%get3A_60, %get3A_61] : memref<128x256xf32, #tpu.memory_space<vmem>>, vector<128x256xf32>
    %dot_general3A_63 = arith.constant dense<0.000000e+00> : vector<4096x256xf32>
    %dot_general3A_64 = tpu.matmul %max3A_59, %get3A_62, %dot_general3A_63 {dimension_numbers = #tpu.dot_dimension_numbers<[1], [0], [0], [1], [0, 0, 1, 1], [], []>, precision = #tpu.contract_precision<fp32>, transpose_lhs_hint = false} : vector<4096x128xf32>, vector<128x256xf32>, vector<4096x256xf32> -> vector<4096x256xf32>
    %get3A_65 = arith.constant 0 : index
    %get3A_66 = arith.constant 0 : index
    %get3A_67 = vector.load %arg7[%get3A_65, %get3A_66] : memref<1x256xf32, #tpu.memory_space<vmem>>, vector<1x256xf32>
    %add3A_68 = vector.broadcast %get3A_67 : vector<1x256xf32> to vector<4096x256xf32>
    %add3A_69 = arith.addf %dot_general3A_64, %add3A_68 : vector<4096x256xf32>
    %swap3A_70 = arith.constant 0 : index
    %swap3A_71 = arith.constant 0 : index
    %swap3A_72 = vector.load %arg8[%swap3A_70, %swap3A_71] : memref<4096x256xf32, #tpu.memory_space<vmem>>, vector<4096x256xf32>
    tpu.vector_store %arg8[%swap3A_70, %swap3A_71], %add3A_69 {strides = array<i32>} : memref<4096x256xf32, #tpu.memory_space<vmem>>, vector<4096x256xf32>,
    return
  }
}

module attributes {stable_mosaic.version = 14 : i64} {
  func.func @_final_body(%arg0: memref<4096x64xf32, #tpu.memory_space<vmem>>, %arg1: memref<4096x256xf32, #tpu.memory_space<vmem>>, %arg2: memref<4096x1xf32, #tpu.memory_space<vmem>>, %arg3: memref<64x256xf32, #tpu.memory_space<vmem>>, %arg4: memref<1x256xf32, #tpu.memory_space<vmem>>, %arg5: memref<1x256xf32, #tpu.memory_space<vmem>>, %arg6: memref<256x128xf32, #tpu.memory_space<vmem>>, %arg7: memref<1x128xf32, #tpu.memory_space<vmem>>, %arg8: memref<1x128xf32, #tpu.memory_space<vmem>>, %arg9: memref<1x128xf32, #tpu.memory_space<vmem>>, %arg10: memref<128x1xf32, #tpu.memory_space<vmem>>, %arg11: memref<1x1xf32, #tpu.memory_space<vmem>>, %arg12: memref<4096x1xf32, #tpu.memory_space<vmem>>) attributes {dimension_semantics = [], scalar_prefetch = 0 : i64, scratch_operands = 0 : i64, tpu.core_type = #tpu.core_type<tc>} {
    %get3A = arith.constant 0 : index
    %get3A_0 = arith.constant 0 : index
    %get3A_1 = vector.load %arg0[%get3A, %get3A_0] : memref<4096x64xf32, #tpu.memory_space<vmem>>, vector<4096x64xf32>
    %get3A_2 = arith.constant 0 : index
    %get3A_3 = arith.constant 0 : index
    %get3A_4 = vector.load %arg2[%get3A_2, %get3A_3] : memref<4096x1xf32, #tpu.memory_space<vmem>>, vector<4096x1xf32>
    %add3A = arith.constant 9.99999971E-10 : f32
    %add3A_5 = vector.broadcast %add3A : f32 to vector<4096x1xf32>
    %add3A_6 = arith.addf %get3A_4, %add3A_5 : vector<4096x1xf32>
    %div3A = vector.broadcast %add3A_6 : vector<4096x1xf32> to vector<4096x64xf32>
    %div3A_7 = arith.divf %get3A_1, %div3A : vector<4096x64xf32>
    %get3A_8 = arith.constant 0 : index
    %get3A_9 = arith.constant 0 : index
    %get3A_10 = vector.load %arg3[%get3A_8, %get3A_9] : memref<64x256xf32, #tpu.memory_space<vmem>>, vector<64x256xf32>
    %dot_general3A = arith.constant dense<0.000000e+00> : vector<4096x256xf32>
    %dot_general3A_11 = tpu.matmul %div3A_7, %get3A_10, %dot_general3A {dimension_numbers = #tpu.dot_dimension_numbers<[1], [0], [0], [1], [0, 0, 1, 1], [], []>, precision = #tpu.contract_precision<fp32>, transpose_lhs_hint = false} : vector<4096x64xf32>, vector<64x256xf32>, vector<4096x256xf32> -> vector<4096x256xf32>
    %get3A_12 = arith.constant 0 : index
    %get3A_13 = arith.constant 0 : index
    %get3A_14 = vector.load %arg1[%get3A_12, %get3A_13] : memref<4096x256xf32, #tpu.memory_space<vmem>>, vector<4096x256xf32>
    %add3A_15 = arith.addf %dot_general3A_11, %get3A_14 : vector<4096x256xf32>
    %get3A_16 = arith.constant 0 : index
    %get3A_17 = arith.constant 0 : index
    %get3A_18 = vector.load %arg4[%get3A_16, %get3A_17] : memref<1x256xf32, #tpu.memory_space<vmem>>, vector<1x256xf32>
    %get3A_19 = arith.constant 0 : index
    %get3A_20 = arith.constant 0 : index
    %get3A_21 = vector.load %arg5[%get3A_19, %get3A_20] : memref<1x256xf32, #tpu.memory_space<vmem>>, vector<1x256xf32>
    %reduce_sum3A = arith.constant dense<0.000000e+00> : vector<256xf32>
    %reduce_sum3A_22 = vector.multi_reduction <add>, %add3A_15, %reduce_sum3A [0] : vector<4096x256xf32> to vector<256xf32>
    %div3A_23 = arith.constant 4.096000e+03 : f32
    %div3A_24 = vector.broadcast %div3A_23 : f32 to vector<256xf32>
    %div3A_25 = arith.divf %reduce_sum3A_22, %div3A_24 : vector<256xf32>
    %jit3A = arith.constant 0 : i32
    %reduce_sum3A_26 = arith.constant dense<0.000000e+00> : vector<256xf32>
    %reduce_sum3A_27 = vector.multi_reduction <add>, %add3A_15, %reduce_sum3A_26 [0] : vector<4096x256xf32> to vector<256xf32>
    %broadcast_in_dim3A = vector.shape_cast %reduce_sum3A_27 : vector<256xf32> to vector<1x256xf32>
    %div3A_28 = arith.constant 4.096000e+03 : f32
    %div3A_29 = vector.broadcast %div3A_28 : f32 to vector<1x256xf32>
    %div3A_30 = arith.divf %broadcast_in_dim3A, %div3A_29 : vector<1x256xf32>
    %sub3A = vector.broadcast %div3A_30 : vector<1x256xf32> to vector<4096x256xf32>
    %sub3A_31 = arith.subf %add3A_15, %sub3A : vector<4096x256xf32>
    %square3A = arith.mulf %sub3A_31, %sub3A_31 : vector<4096x256xf32>
    %convert_element_type3A = arith.sitofp %jit3A : i32 to f32
    %sub3A_32 = arith.constant 4.096000e+03 : f32
    %sub3A_33 = arith.subf %sub3A_32, %convert_element_type3A : f32
    %reduce_sum3A_34 = arith.constant dense<0.000000e+00> : vector<256xf32>
    %reduce_sum3A_35 = vector.multi_reduction <add>, %square3A, %reduce_sum3A_34 [0] : vector<4096x256xf32> to vector<256xf32>
    %div3A_36 = vector.broadcast %sub3A_33 : f32 to vector<256xf32>
    %div3A_37 = arith.divf %reduce_sum3A_35, %div3A_36 : vector<256xf32>
    %gt3A = arith.constant 0.000000e+00 : f32
    %gt3A_38 = arith.cmpf ogt, %sub3A_33, %gt3A : f32
    %jit3A_39 = arith.constant 0x7FC00000 : f32
    %broadcast_in_dim3A_40 = vector.broadcast %jit3A_39 : f32 to vector<256xf32>
    %select_n3A = arith.select %gt3A_38, %div3A_37, %broadcast_in_dim3A_40 : vector<256xf32>
    %broadcast_in_dim3A_41 = vector.shape_cast %div3A_25 : vector<256xf32> to vector<1x256xf32>
    %sub3A_42 = vector.broadcast %broadcast_in_dim3A_41 : vector<1x256xf32> to vector<4096x256xf32>
    %sub3A_43 = arith.subf %add3A_15, %sub3A_42 : vector<4096x256xf32>
    %mul3A = vector.broadcast %get3A_18 : vector<1x256xf32> to vector<4096x256xf32>
    %mul3A_44 = arith.mulf %mul3A, %sub3A_43 : vector<4096x256xf32>
    %add3A_45 = arith.constant 9.99999974E-6 : f32
    %add3A_46 = vector.broadcast %add3A_45 : f32 to vector<256xf32>
    %add3A_47 = arith.addf %select_n3A, %add3A_46 : vector<256xf32>
    %sqrt3A = math.sqrt %add3A_47 : vector<256xf32>
    %broadcast_in_dim3A_48 = vector.shape_cast %sqrt3A : vector<256xf32> to vector<1x256xf32>
    %div3A_49 = vector.broadcast %broadcast_in_dim3A_48 : vector<1x256xf32> to vector<4096x256xf32>
    %div3A_50 = arith.divf %mul3A_44, %div3A_49 : vector<4096x256xf32>
    %add3A_51 = vector.broadcast %get3A_21 : vector<1x256xf32> to vector<4096x256xf32>
    %add3A_52 = arith.addf %div3A_50, %add3A_51 : vector<4096x256xf32>
    %max3A = arith.constant 0.000000e+00 : f32
    %max3A_53 = vector.broadcast %max3A : f32 to vector<4096x256xf32>
    %max3A_54 = arith.maximumf %add3A_52, %max3A_53 : vector<4096x256xf32>
    %get3A_55 = arith.constant 0 : index
    %get3A_56 = arith.constant 0 : index
    %get3A_57 = vector.load %arg6[%get3A_55, %get3A_56] : memref<256x128xf32, #tpu.memory_space<vmem>>, vector<256x128xf32>
    %dot_general3A_58 = arith.constant dense<0.000000e+00> : vector<4096x128xf32>
    %dot_general3A_59 = tpu.matmul %max3A_54, %get3A_57, %dot_general3A_58 {dimension_numbers = #tpu.dot_dimension_numbers<[1], [0], [0], [1], [0, 0, 1, 1], [], []>, precision = #tpu.contract_precision<fp32>, transpose_lhs_hint = false} : vector<4096x256xf32>, vector<256x128xf32>, vector<4096x128xf32> -> vector<4096x128xf32>
    %get3A_60 = arith.constant 0 : index
    %get3A_61 = arith.constant 0 : index
    %get3A_62 = vector.load %arg7[%get3A_60, %get3A_61] : memref<1x128xf32, #tpu.memory_space<vmem>>, vector<1x128xf32>
    %add3A_63 = vector.broadcast %get3A_62 : vector<1x128xf32> to vector<4096x128xf32>
    %add3A_64 = arith.addf %dot_general3A_59, %add3A_63 : vector<4096x128xf32>
    %get3A_65 = arith.constant 0 : index
    %get3A_66 = arith.constant 0 : index
    %get3A_67 = vector.load %arg8[%get3A_65, %get3A_66] : memref<1x128xf32, #tpu.memory_space<vmem>>, vector<1x128xf32>
    %get3A_68 = arith.constant 0 : index
    %get3A_69 = arith.constant 0 : index
    %get3A_70 = vector.load %arg9[%get3A_68, %get3A_69] : memref<1x128xf32, #tpu.memory_space<vmem>>, vector<1x128xf32>
    %reduce_sum3A_71 = arith.constant dense<0.000000e+00> : vector<128xf32>
    %reduce_sum3A_72 = vector.multi_reduction <add>, %add3A_64, %reduce_sum3A_71 [0] : vector<4096x128xf32> to vector<128xf32>
    %div3A_73 = arith.constant 4.096000e+03 : f32
    %div3A_74 = vector.broadcast %div3A_73 : f32 to vector<128xf32>
    %div3A_75 = arith.divf %reduce_sum3A_72, %div3A_74 : vector<128xf32>
    %jit3A_76 = arith.constant 0 : i32
    %reduce_sum3A_77 = arith.constant dense<0.000000e+00> : vector<128xf32>
    %reduce_sum3A_78 = vector.multi_reduction <add>, %add3A_64, %reduce_sum3A_77 [0] : vector<4096x128xf32> to vector<128xf32>
    %broadcast_in_dim3A_79 = vector.shape_cast %reduce_sum3A_78 : vector<128xf32> to vector<1x128xf32>
    %div3A_80 = arith.constant 4.096000e+03 : f32
    %div3A_81 = vector.broadcast %div3A_80 : f32 to vector<1x128xf32>
    %div3A_82 = arith.divf %broadcast_in_dim3A_79, %div3A_81 : vector<1x128xf32>
    %sub3A_83 = vector.broadcast %div3A_82 : vector<1x128xf32> to vector<4096x128xf32>
    %sub3A_84 = arith.subf %add3A_64, %sub3A_83 : vector<4096x128xf32>
    %square3A_85 = arith.mulf %sub3A_84, %sub3A_84 : vector<4096x128xf32>
    %convert_element_type3A_86 = arith.sitofp %jit3A_76 : i32 to f32
    %sub3A_87 = arith.constant 4.096000e+03 : f32
    %sub3A_88 = arith.subf %sub3A_87, %convert_element_type3A_86 : f32
    %reduce_sum3A_89 = arith.constant dense<0.000000e+00> : vector<128xf32>
    %reduce_sum3A_90 = vector.multi_reduction <add>, %square3A_85, %reduce_sum3A_89 [0] : vector<4096x128xf32> to vector<128xf32>
    %div3A_91 = vector.broadcast %sub3A_88 : f32 to vector<128xf32>
    %div3A_92 = arith.divf %reduce_sum3A_90, %div3A_91 : vector<128xf32>
    %gt3A_93 = arith.constant 0.000000e+00 : f32
    %gt3A_94 = arith.cmpf ogt, %sub3A_88, %gt3A_93 : f32
    %jit3A_95 = arith.constant 0x7FC00000 : f32
    %broadcast_in_dim3A_96 = vector.broadcast %jit3A_95 : f32 to vector<128xf32>
    %select_n3A_97 = arith.select %gt3A_94, %div3A_92, %broadcast_in_dim3A_96 : vector<128xf32>
    %broadcast_in_dim3A_98 = vector.shape_cast %div3A_75 : vector<128xf32> to vector<1x128xf32>
    %sub3A_99 = vector.broadcast %broadcast_in_dim3A_98 : vector<1x128xf32> to vector<4096x128xf32>
    %sub3A_100 = arith.subf %add3A_64, %sub3A_99 : vector<4096x128xf32>
    %mul3A_101 = vector.broadcast %get3A_67 : vector<1x128xf32> to vector<4096x128xf32>
    %mul3A_102 = arith.mulf %mul3A_101, %sub3A_100 : vector<4096x128xf32>
    %add3A_103 = arith.constant 9.99999974E-6 : f32
    %add3A_104 = vector.broadcast %add3A_103 : f32 to vector<128xf32>
    %add3A_105 = arith.addf %select_n3A_97, %add3A_104 : vector<128xf32>
    %sqrt3A_106 = math.sqrt %add3A_105 : vector<128xf32>
    %broadcast_in_dim3A_107 = vector.shape_cast %sqrt3A_106 : vector<128xf32> to vector<1x128xf32>
    %div3A_108 = vector.broadcast %broadcast_in_dim3A_107 : vector<1x128xf32> to vector<4096x128xf32>
    %div3A_109 = arith.divf %mul3A_102, %div3A_108 : vector<4096x128xf32>
    %add3A_110 = vector.broadcast %get3A_70 : vector<1x128xf32> to vector<4096x128xf32>
    %add3A_111 = arith.addf %div3A_109, %add3A_110 : vector<4096x128xf32>
    %max3A_112 = arith.constant 0.000000e+00 : f32
    %max3A_113 = vector.broadcast %max3A_112 : f32 to vector<4096x128xf32>
    %max3A_114 = arith.maximumf %add3A_111, %max3A_113 : vector<4096x128xf32>
    %get3A_115 = arith.constant 0 : index
    %get3A_116 = arith.constant 0 : index
    %get3A_117 = vector.load %arg10[%get3A_115, %get3A_116] : memref<128x1xf32, #tpu.memory_space<vmem>>, vector<128x1xf32>
    %dot_general3A_118 = arith.constant dense<0.000000e+00> : vector<4096x1xf32>
    %dot_general3A_119 = tpu.matmul %max3A_114, %get3A_117, %dot_general3A_118 {dimension_numbers = #tpu.dot_dimension_numbers<[1], [0], [0], [1], [0, 0, 1, 1], [], []>, precision = #tpu.contract_precision<fp32>, transpose_lhs_hint = false} : vector<4096x128xf32>, vector<128x1xf32>, vector<4096x1xf32> -> vector<4096x1xf32>
    %get3A_120 = arith.constant 0 : index
    %get3A_121 = arith.constant 0 : index
    %get3A_122 = vector.load %arg11[%get3A_120, %get3A_121] : memref<1x1xf32, #tpu.memory_space<vmem>>, vector<1x1xf32>
    %add3A_123 = vector.broadcast %get3A_122 : vector<1x1xf32> to vector<4096x1xf32>
    %add3A_124 = arith.addf %dot_general3A_119, %add3A_123 : vector<4096x1xf32>
    %swap3A = arith.constant 0 : index
    %swap3A_125 = arith.constant 0 : index
    %swap3A_126 = vector.load %arg12[%swap3A, %swap3A_125] : memref<4096x1xf32, #tpu.memory_space<vmem>>, vector<4096x1xf32>
    tpu.vector_store %arg12[%swap3A, %swap3A_125], %add3A_124 {strides = array<i32>} : memref<4096x1xf32, #tpu.memory_space<vmem>>, vector<4096x1xf32>,
    return
  }
}

</mosaic_0001>

<sc_bundles>
// kernel: kernel.5.cloned.1.call-start
scs
__scs_entry_jumppad:
0x0: {  	(pc) =	sbr.rel $0x88, $3  }
0x1: {  	(tag) =	ssettag $0x0;
	lr =	simm.s32 $0x1  }
0x2: {  	[smem:$0x3F90] =	sst lr;
	_ =	strace $0xD0000000  }
0x3: {  	_ = 	snop  }
0x4: {  	_ = 	snop  }
0x5: {  	_ = 	snop  }
0x6: {  	_ = 	snop  }
0x7: {  	_ = 	snop  }
__scs_overlays_trampoline_lowered:
0x8: {  	[smem:$0x3F9F] =	sst s0  }
0x9: {  	[smem:$0x3FA0] =	sst s1  }
0xa: {  	[smem:$0x3FA1] =	sst s2  }
0xb: {  	[smem:$0x3FA2] =	sst s3  }
0xc: {  	[smem:$0x3FA3] =	sst s4  }
0xd: {  	[smem:$0x3FA4] =	sst s5  }
0xe: {  	[smem:$0x3FA5] =	sst s6  }
0xf: {  	[smem:$0x3FA6] =	sst s7  }
0x10: {  	[smem:$0x3FA7] =	sst s8  }
0x11: {  	[smem:$0x3FA8] =	sst s9;
	s0 =	simm.s32 @!p0 $0x0  }
0x12: {  	s1 =	sld [smem:$0x3F8E];
	s0 =	simm.s32 @p0 $0x1  }
0x13: {  	[smem:$0x3FA9] =	sst s0;
	s0 =	simm.s32 @!p1 $0x0  }
0x14: {  	s2 =	sld [smem:$0x3F8D];
	s0 =	simm.s32 @p1 $0x1  }
0x15: {  	[smem:$0x3FAA] =	sst s0;
	s0 =	simm.s32 @!p2 $0x0  }
0x16: {  	s3 =	sld [smem:$0x3FDB];
	s0 =	simm.s32 @p2 $0x1  }
0x17: {  	s4 =	simm.s32 $0x1BF5;
	[smem:$0x3FAC] =	sst s0  }
0x18: {  	s0 =	sld [smem:$0x3F8F];
	_ =	swait.ge [sflag:s4], $0x0  }
0x19: {  	s7 =	sld [smem:$0x3F90]  }
0x1a: {  	s8 =	sadd.s32 $0xFFFFE003, lr  }
0x1b: {  	s9 =	sadd.s32 $0xFFFFFEF7, lr;
	s5 =	simm.s32 $0xFFFFFFFF;
	p2 =	slt.u32 s8, $0xFFFFF086  }
0x1c: {  	p1 =	slt.u32 s9, $0xF7A;
	s5 =	simm.s32 @!p2 $0x0  }
0x1d: {  	s5 =	simm.s32 @p1 $0x1;
	p0 =	seq.s32 s7, s2  }
0x1e: {  	s7 =	smul.u32 @!p0 $0xF7A, s2;
	p2 =	seq.s32 @!p0 s5, $0x0  }
0x1f: {  	s9 =	smul.u32 $0xF7A, s1;
	s8 =	simm.s32 @!p0 $0x1BF5;
	p2 =	por !p2, p0  }
0x20: {  	[sflag:s8] =	ssyncset.s32 @!p0 $0xFFFFF086;
	s6 =	sadd.s32 @!p0 s3, s7;
	s7 =	simm.s32 @!p0 $0x108  }
0x21: {  	s3 =	sadd.s32 s3, s9;
	s6 =	sadd.s32 @!p0 $0x88, s6;
	s7 =	simm.s32 @p2 $0x1082  }
0x22: {  	[simem:s7], [sflag:s8] =	dma.local @!p0 [hbm:s6], $0xF7A  }
0x23: {  	s9 =	sor.u32 $0xD0000000, s2;
	s6 =	simm.s32 $0x108;
	_ =	swait.ge @!p0 [sflag:s8], $0x0  }
0x24: {  	s3 =	sadd.s32 $0x88, s3;
	s6 =	simm.s32 @!p1 $0x1082;
	[sflag:s4] =	ssyncset.s32 $0xFFFFF086  }
0x25: {  	[simem:s6], [sflag:s4] =	dma.local [hbm:s3], $0xF7A  }
0x26: {  	[smem:$0x3F90] =	sst s1;
	(tag) =	ssettag s2;
	_ =	strace s9  }
0x27: {  	s1 =	sld [smem:$0x3FA0]  }
0x28: {  	s2 =	sld [smem:$0x3FA1]  }
0x29: {  	s4 =	sld [smem:$0x3FA3]  }
0x2a: {  	p0 =	seq.s32 s5, $0x0;
	s5 =	sld [smem:$0x3FA4]  }
0x2b: {  	s6 =	sld [smem:$0x3FA5]  }
0x2c: {  	s7 =	sld [smem:$0x3FA6]  }
0x2d: {  	s3 =	simm.s32 $0x108;
	s8 =	sld [smem:$0x3FA7]  }
0x2e: {  	s3 =	simm.s32 @!p0 $0x1082;
	s9 =	sld [smem:$0x3FA8]  }
0x2f: {  	lr =	sadd.s32 s0, s3;
	s0 =	sld [smem:$0x3F9F]  }
0x30: {  	s3 =	sld [smem:$0x3FA2]  }
0x31: {  	[smem:$0x3FAB] =	sst s10  }
0x32: {  	s10 =	sld [smem:$0x3FA9];
	_ =	sdelay $0x3  }
0x33: {  	p0 =	seq.s32 s10, $0x1;
	s10 =	sld [smem:$0x3FAB];
	_ =	sdelay $0x3  }
0x34: {  	[smem:$0x3FAB] =	sst s10  }
0x35: {  	s10 =	sld [smem:$0x3FAA];
	_ =	sdelay $0x3  }
0x36: {  	p1 =	seq.s32 s10, $0x1;
	s10 =	sld [smem:$0x3FAB];
	_ =	sdelay $0x3  }
0x37: {  	[smem:$0x3FAB] =	sst s10  }
0x38: {  	s10 =	sld [smem:$0x3FAC]  }
0x39: {  	_ = 	snop;
	(pc) =	sbr.ind lr, $3  }
0x3a: {  	_ = 	snop  }
0x3b: {  	_ = 	snop  }
0x3c: {  	p2 =	seq.s32 s10, $0x1;
	s10 =	sld [smem:$0x3FAB]  }
0x3d: {  	_ =	shalt  }
0x3e: {  	_ =	shalt  }
0x3f: {  	_ =	shalt  }
0x40: {  	_ =	shalt  }
0x41: {  	_ =	shalt  }
0x42: {  	_ =	shalt  }
0x43: {  	_ =	shalt  }
0x44: {  	_ =	shalt  }
0x45: {  	_ =	shalt  }
0x46: {  	_ =	shalt  }
0x47: {  	_ =	shalt  }
0x48: {  	_ =	shalt  }
0x49: {  	_ =	shalt  }
0x4a: {  	_ =	shalt  }
0x4b: {  	_ =	shalt  }
0x4c: {  	_ =	shalt  }
0x4d: {  	_ =	shalt  }
0x4e: {  	_ =	shalt  }
0x4f: {  	_ =	shalt  }
0x50: {  	_ =	shalt  }
0x51: {  	_ =	shalt  }
0x52: {  	_ =	shalt  }
0x53: {  	_ =	shalt  }
0x54: {  	_ =	shalt  }
0x55: {  	_ =	shalt  }
0x56: {  	_ =	shalt  }
0x57: {  	_ =	shalt  }
0x58: {  	_ =	shalt  }
0x59: {  	_ =	shalt  }
0x5a: {  	_ =	shalt  }
0x5b: {  	_ =	shalt  }
0x5c: {  	_ =	shalt  }
0x5d: {  	_ =	shalt  }
0x5e: {  	_ =	shalt  }
0x5f: {  	_ =	shalt  }
0x60: {  	_ =	shalt  }
0x61: {  	_ =	shalt  }
0x62: {  	_ =	shalt  }
0x63: {  	_ =	shalt  }
0x64: {  	_ =	shalt  }
0x65: {  	_ =	shalt  }
0x66: {  	_ =	shalt  }
0x67: {  	_ =	shalt  }
0x68: {  	_ =	shalt  }
0x69: {  	_ =	shalt  }
0x6a: {  	_ =	shalt  }
0x6b: {  	_ =	shalt  }
0x6c: {  	_ =	shalt  }
0x6d: {  	_ =	shalt  }
0x6e: {  	_ =	shalt  }
0x6f: {  	_ =	shalt  }
0x70: {  	_ =	shalt  }
0x71: {  	_ =	shalt  }
0x72: {  	_ =	shalt  }
0x73: {  	_ =	shalt  }
0x74: {  	_ =	shalt  }
0x75: {  	_ =	shalt  }
0x76: {  	_ =	shalt  }
0x77: {  	_ =	shalt  }
0x78: {  	_ =	shalt  }
0x79: {  	_ =	shalt  }
0x7a: {  	_ =	shalt  }
0x7b: {  	_ =	shalt  }
0x7c: {  	_ =	shalt  }
0x7d: {  	_ =	shalt  }
0x7e: {  	_ =	shalt  }
0x7f: {  	_ =	shalt  }
0x80: {  	_ =	shalt  }
0x81: {  	_ =	shalt  }
0x82: {  	_ =	shalt  }
0x83: {  	_ =	shalt  }
0x84: {  	_ =	shalt  }
0x85: {  	_ =	shalt  }
0x86: {  	_ =	shalt  }
0x87: {  	_ =	shalt  }
.Lfunc_end0:
.L_simem_size_0:
called_computation_lowered:
.L_overlay_start_0:
0x88: {  	s2 =	sld [smem:$0x3FD9]  }
0x89: {  	s3 =	sld [smem:$0x3FFE];
	_ =	sdelay $0x1  }
0x8a: {  	s1 =	srdreg.scid  }
0x8b: {  	s0 =	sand.u32 $0x1, s1  }
0x8c: {  	s16 =	sshll.u32 s0, $0xA;
	s2 =	sadd.s32 s3, s2  }
0x8d: {  	s2 =	sadd.s32 s2, s16  }
0x8e: {  	[smem:$0x3FB7] =	sst s2  }
0x8f: {  	_ = 	snop  }
0x90: {  	(tm) =	ssettm $0x1  }
0x91: {  	s17 =	sld [smem:$0x3FFB];
	_ =	sdelay $0x3  }
0x92: {  	_ =	strace s17  }
0x93: {  	s2 =	sld [smem:$0x3FFC];
	_ =	sdelay $0x3  }
0x94: {  	_ =	strace s2  }
0x95: {  	s2 =	sld [smem:$0x3FFD];
	_ =	sdelay $0x3  }
0x96: {  	_ =	strace s2  }
0x97: {  	_ =	strace $0x8FFFFFFF  }
0x98: {  	s18 =	sld [smem:$0x3FDB];
	_ =	sdelay $0x1  }
0x99: {  	s19 =	simm.s32 $_scs_section_size  }
0x9a: {  	s4 =	simm.s32 $_size__tile_overlayer_lowered;
	s5 =	simm.s32 $_tile_overlayer_lowered  }
0x9b: {  	s22 =	simm.s32 $0x1BFF;
	s21 =	sshll.u32 s5, $0x1;
	s2 =	sadd.s32 s19, s18  }
0x9c: {  	s6 =	simm.s32 $0x0;
	s20 =	sshll.u32 s4, $0x1;
	s4 =	sadd.s32 s21, s2  }
0x9d: {  	[timem:s6], [sflag:s22] =	dma.local [hbm:s4], s20  }
0x9e: {  	_ =	swait.ge [sflag:s22], s20  }
0x9f: {  	s3 =	ssub.s32 $0x0, s20;
	[sflag:s22] =	ssyncset.done $0x0  }
0xa0: {  	[sflag:s22] =	ssyncadd.s32 s3;
	_ =	sdelay $0x1  }
0xa1: {  	s23 =	simm.s32 $0x1B8B  }
0xa2: {  	_ =	swait.ge [sflag:s23], $0x1  }
0xa3: {  	[sflag:s23] =	ssyncset.done $0x0  }
0xa4: {  	s25 =	simm.s32 $0x1B8E;
	s24 =	sld [smem:$0x3FFE];
	[sflag:s23] =	ssyncadd.s32 $0xFFFFFFFF  }
0xa5: {  	s26 =	simm.s32 $execute0_lowered;
	[smem:$0x3FD2] =	sst s25  }
0xa6: {  	s4 =	sshll.u32 s26, $0x1;
	_ =	strace $0x80000046;
	[dreg:$0x1] =	wrdreg $0xFFFFFFFF  }
0xa7: {  	s28 =	simm.s32 $_size_execute0_lowered;
	s2 =	sadd.s32 s2, s4;
	[dreg:$0x0] =	wrdreg $0x0  }
0xa8: {  	s4 =	sshll.u32 s28, $0x1;
	[dreg:$0x2] =	wrdreg s2  }
0xa9: {  	[dreg:$0x3] =	wrdreg s4  }
0xaa: {  	[dreg:$0x4] =	wrdreg $0xC0  }
0xab: {  	_ =	task [dreg:s6], $0x5FFFF  }
0xac: {  	[dreg:$0x1] =	wrdreg $0xFFFFFFFF  }
0xad: {  	[dreg:$0x0] =	wrdreg $0x60  }
0xae: {  	[dreg:$0x2] =	wrdreg s24  }
0xaf: {  	[dreg:$0x3] =	wrdreg $0x9  }
0xb0: {  	_ =	task.clear_ibuf [dreg:s6], $0x4FFFF;
	_ =	strace $0x90000046  }
0xb1: {  	s29 =	simm.s32 $0x9;
	_ =	strace $0x80000048  }
0xb2: {  	_ =	swait.ge [sflag:s29], $0x1  }
0xb3: {  	[sflag:s29] =	ssyncadd.s32 $0xFFFFFFFF  }
0xb4: {  	_ =	strace $0x90000048  }
0xb5: {  	_ =	sfence  }
0xb6: {  	s30 =	sld [smem:$0x0];
	_ =	sdelay $0x2  }
0xb7: {  	s31 =	sshll.u32 s1, $0xD;
	s1 =	sshrl.u32 s1, $0x2  }
0xb8: {  	s3 =	sand.u32 $0x4000, s31;
	s1 =	sadd.s32 s1, s30  }
0xb9: {  	s0 =	sor.u32 s3, s0;
	s1 =	sshll.u32 s1, $0x11  }
0xba: {  	s0 =	sor.u32 s1, s0  }
0xbb: {  	s0 =	sadd.s32 $0x8F2B, s0  }
0xbc: {  	[sflag:s0] =	ssyncadd.remote.s32 $0x1  }
0xbd: {  	_ =	sfence.sel $0xFFFF  }
0xbe: {  	[dreg:$0x0] =	wrdreg $0xFFFFFFFF;
	(pc) =	sbr.abs _section_cstart, $3  }
0xbf: {  	[dreg:$0x1] =	wrdreg $0xFFFFFFFF  }
0xc0: {  	_ =	task.clear_ibuf [dreg:s6], $0x2FFFF;
	_ =	strace $0x9FFFFFFF  }
0xc1: {  	(tm) =	ssettm $0x7FFFFFFF  }
tec
execute0_lowered:
.L_overlay_start_1:
0x0: {  	(tag) =	ssettag $0x1  }
0x1: {  	s0 =	rddreg [dreg:$0x0]  }
0x2: {  	s1 =	srdreg.scid;
	s3 =	stileid.u32  }
0x3: {  	s2 =	simm.s32 $0x0;
	s7 =	simm.s32 $0x5;
	s8 =	simm.s32 $0x68  }
0x4: {  	s10 =	simm.s32 $0x60;
	s13 =	simm.s32 $0x9600;
	s14 =	simm.s32 $0x130  }
0x5: {  	s15 =	simm.s32 $0xB000;
	s16 =	simm.s32 $0x190;
	s17 =	simm.s32 $0xC800  }
0x6: {  	s18 =	simm.s32 $0x1F8;
	s19 =	simm.s32 $0xE200;
	s20 =	simm.s32 $0x258  }
0x7: {  	s21 =	simm.s32 $0xFA00;
	s22 =	simm.s32 $0x2C0;
	s23 =	simm.s32 $0x11400  }
0x8: {  	s24 =	simm.s32 $0x1;
	s25 =	simm.s32 $0x2;
	s26 =	simm.s32 $0x3  }
0x9: {  	s28 =	simm.s32 $0x4;
	s29 =	simm.s32 $0x12C00;
	s1 =	sand.u32 $0x1, s1  }
0xa: {  	s30 =	simm.s32 $0x0;
	s3 =	sshll.u32 s3, $0x8;
	s4 =	sshll.u32 s1, $0x7  }
.Ltmp0:
0xb: {  	[smem:$0x7FF] =	sst s2;
	s4 =	sor.u32 s4, s3;
	(pc) =	sbr.rel .LBB2_1-.Ltmp0, $4  }
0xc: {  	_ =	strace $0x80000047;
	s1 =	ssub.s32 $0x2, s1;
	s5 =	smul.u32 $0x19, s4  }
0xd: {  	s3 =	sadd.s32 $0x188E00, s0;
	s31 =	sshrl.u32 s1, $0x1;
	s4 =	sshll.u32 s4, $0x3  }
0xe: {  	s1 =	ssub.s32 s1, s31;
	s5 =	sadd.s32 s5, s0;
	s0 =	sadd.s32 s4, s0  }
0xf: {  	s6 =	smax.u32 s1, $0x1;
	s4 =	sadd.s32 $0x2400, s5;
	s5 =	sadd.s32 $0x1B400, s0  }
.LBB2_12:
0x10: {  	s30 =	sadd.s32 $0x1, s30  }
0x11: {  	p0 =	sne.s32 s30, s6  }
.Ltmp1:
0x12: {  	_ = 	snop;
	(pc) =	sbr.rel @!p0 .LBB2_13-.Ltmp1, $4  }
0x13: {  	[hbm4b:s5+s2] =	stream.linear.scatter [tilespmem:s29], [sflag:$0x5], $0x2000, $0x38;
	[tilespmem:$0x14C00] =	vst v63  }
0x14: {  	_ =	swait.ge [sflag:s7], $0x2000  }
0x15: {  	[sflag:s7] =	ssyncset.done $0x0  }
0x16: {  	[sflag:s7] =	ssyncadd.s32 $0xFFFFE000  }
.LBB2_1:
0x17: {  	[tilespmem:s2], [sflag:$0x5] =	stream.linear.gather [hbm4b:s4+s2], $0x6400, $0x38;
	[tilespmem:$0x14C00] =	vst v63  }
0x18: {  	_ =	swait.ge [sflag:s7], $0x6400  }
0x19: {  	[sflag:s7] =	ssyncset.done $0x0  }
0x1a: {  	s0 =	simm.s32 $0x6400;
	[sflag:s7] =	ssyncadd.s32 $0xFFFF9C00  }
0x1b: {  	[tilespmem:s0], [sflag:$0x1] =	stream.indirect.gather [hbm4b:s3+s8], $0x40, s2, s8, $0xb8;
	[tilespmem:$0x14C00] =	vst v63  }
0x1c: {  	s11 =	simm.s32 $0x7E00  }
0x1d: {  	[tilespmem:s11], [sflag:$0x1] =	stream.indirect.gather [hbm4b:s3+s10], $0x40, s8, s10, $0xb8;
	[tilespmem:$0x14C00] =	vst v63  }
0x1e: {  	s12 =	simm.s32 $0xC8  }
0x1f: {  	[tilespmem:s13], [sflag:$0x2] =	stream.indirect.gather [hbm4b:s3+s8], $0x40, s12, s8, $0xb8;
	[tilespmem:$0x14C00] =	vst v63  }
0x20: {  	_ = 	snop  }
0x21: {  	[tilespmem:s15], [sflag:$0x2] =	stream.indirect.gather [hbm4b:s3+s10], $0x40, s14, s10, $0xb8;
	[tilespmem:$0x14C00] =	vst v63  }
0x22: {  	_ = 	snop  }
0x23: {  	[tilespmem:s17], [sflag:$0x3] =	stream.indirect.gather [hbm4b:s3+s8], $0x40, s16, s8, $0xb8;
	[tilespmem:$0x14C00] =	vst v63  }
0x24: {  	_ = 	snop  }
0x25: {  	[tilespmem:s19], [sflag:$0x3] =	stream.indirect.gather [hbm4b:s3+s10], $0x40, s18, s10, $0xb8;
	[tilespmem:$0x14C00] =	vst v63  }
0x26: {  	_ = 	snop  }
0x27: {  	[tilespmem:s21], [sflag:$0x4] =	stream.indirect.gather [hbm4b:s3+s8], $0x40, s20, s8, $0xb8;
	[tilespmem:$0x14C00] =	vst v63  }
0x28: {  	s31 =	simm.s32 $0x0  }
0x29: {  	[tilespmem:s23], [sflag:$0x4] =	stream.indirect.gather [hbm4b:s3+s10], $0x40, s22, s10, $0xb8;
	[tilespmem:$0x14C00] =	vst v63  }
.LBB2_2:
0x2a: {  	_ =	swait.ge [sflag:s24], $0x3200  }
0x2b: {  	[sflag:s24] =	ssyncset.done $0x0  }
0x2c: {  	s1 =	simm.s32 $0x6500;
	[sflag:s24] =	ssyncadd.s32 $0xFFFFCE00  }
0x2d: {  	v0 =	vld [tilespmem:s1+$0xC0]  }
0x2e: {  	v1 =	vld [tilespmem:s1+$0xD0]  }
0x2f: {  	v2 =	vld [tilespmem:s1+$0x80]  }
0x30: {  	v3 =	vld [tilespmem:s1+$0x90]  }
0x31: {  	v9 =	vld [tilespmem:s1+$0x40]  }
0x32: {  	v12 =	vld [tilespmem:s1+$0x50]  }
0x33: {  	v5 =	vld [tilespmem:s1+$0x0]  }
0x34: {  	v8 =	vld [tilespmem:s1+$0x10]  }
0x35: {  	v6 =	vld [tilespmem:s1+$0xFFFFFFC0]  }
0x36: {  	v7 =	vld [tilespmem:s1+$0xFFFFFFD0]  }
0x37: {  	v4 =	vld [tilespmem:s1+$0xFFFFFF80]  }
0x38: {  	v10 =	vld [tilespmem:s1+$0xFFFFFF90]  }
0x39: {  	v11 =	vld [tilespmem:s1+$0xFFFFFF40]  }
0x3a: {  	v13 =	vld [tilespmem:s1+$0xFFFFFF50]  }
0x3b: {  	v14 =	vld [tilespmem:s1+$0xFFFFFF00]  }
0x3c: {  	v15 =	vld [tilespmem:s1+$0xFFFFFF10]  }
0x3d: {  	v16 =	vld [tilespmem:s1+$0xFFFFFF20]  }
0x3e: {  	v17 =	vld [tilespmem:s1+$0xFFFFFF30]  }
0x3f: {  	v18 =	vld [tilespmem:s1+$0xFFFFFF60]  }
0x40: {  	v19 =	vld [tilespmem:s1+$0xFFFFFF70]  }
0x41: {  	v20 =	vimm.f32 $0.0e+00;
	v21 =	vld [tilespmem:s1+$0xFFFFFFA0]  }
0x42: {  	v22 =	vld [tilespmem:s1+$0xFFFFFFB0];
	v14 =	vadd.f32 v14, v20;
	v15 =	vadd.f32 v15, v20  }
0x43: {  	v59 =	vld [tilespmem:s1+$0xFFFFFFE0];
	v16 =	vadd.f32 v16, v20;
	v17 =	vadd.f32 v17, v20  }
0x44: {  	v11 =	vadd.f32 v11, v14;
	v13 =	vadd.f32 v13, v15;
	v14 =	vld [tilespmem:s1+$0xFFFFFFF0]  }
0x45: {  	v61 =	vld [tilespmem:s1+$0x20];
	v15 =	vadd.f32 v18, v16;
	v60 =	vadd.f32 v19, v17  }
0x46: {  	v11 =	vadd.f32 v4, v11;
	v10 =	vadd.f32 v10, v13;
	v13 =	vld [tilespmem:s1+$0x30]  }
0x47: {  	v15 =	vadd.f32 v21, v15;
	v16 =	vadd.f32 v22, v60;
	v4 =	vld [tilespmem:s1+$0x60]  }
0x48: {  	v11 =	vadd.f32 v6, v11;
	v10 =	vadd.f32 v7, v10;
	v7 =	vld [tilespmem:s1+$0x70]  }
0x49: {  	v15 =	vadd.f32 v59, v15;
	v6 =	vld [tilespmem:s1+$0xA0];
	v14 =	vadd.f32 v14, v16  }
0x4a: {  	v62 =	vadd.f32 v5, v11;
	v63 =	vadd.f32 v8, v10;
	v8 =	vld [tilespmem:s1+$0xB0]  }
0x4b: {  	v11 =	vadd.f32 v61, v15;
	v5 =	vld [tilespmem:s1+$0xE0];
	v10 =	vadd.f32 v13, v14  }
0x4c: {  	s0 =	simm.s32 $0x0;
	v13 =	vadd.f32 v9, v62;
	v12 =	vadd.f32 v12, v63;
	v9 =	vld [tilespmem:s1+$0xF0];
	s1 =	simm.s32 $0x6700  }
.LBB2_3:
0x4d: {  	v14 =	vld [tilespmem:s1+$0xC0];
	v4 =	vadd.f32 v4, v11;
	v7 =	vadd.f32 v7, v10  }
0x4e: {  	v10 =	vld [tilespmem:s1+$0xD0];
	v11 =	vadd.f32 v2, v13;
	v12 =	vadd.f32 v3, v12  }
0x4f: {  	v2 =	vld [tilespmem:s1+$0x80];
	v4 =	vadd.f32 v6, v4;
	v6 =	vadd.f32 v8, v7  }
0x50: {  	v3 =	vld [tilespmem:s1+$0x90];
	v7 =	vadd.f32 v0, v11;
	v8 =	vadd.f32 v1, v12  }
0x51: {  	v12 =	vld [tilespmem:s1+$0x40];
	v4 =	vadd.f32 v5, v4;
	v5 =	vadd.f32 v9, v6  }
0x52: {  	v9 =	vld [tilespmem:s1+$0x50];
	v0 =	vmov v14  }
0x53: {  	v11 =	vld [tilespmem:s1+$0x0];
	v1 =	vmov v10  }
0x54: {  	v10 =	vld [tilespmem:s1+$0x10]  }
0x55: {  	v6 =	vld [tilespmem:s1+$0xFFFFFFC0]  }
0x56: {  	v13 =	vld [tilespmem:s1+$0xFFFFFFD0]  }
0x57: {  	v14 =	vld [tilespmem:s1+$0xFFFFFF80]  }
0x58: {  	v15 =	vld [tilespmem:s1+$0xFFFFFF90]  }
0x59: {  	v16 =	vld [tilespmem:s1+$0xFFFFFF40]  }
0x5a: {  	v17 =	vld [tilespmem:s1+$0xFFFFFF50]  }
0x5b: {  	v18 =	vld [tilespmem:s1+$0xFFFFFF00]  }
0x5c: {  	v19 =	vld [tilespmem:s1+$0xFFFFFF10]  }
0x5d: {  	v20 =	vld [tilespmem:s1+$0xFFFFFF20]  }
0x5e: {  	s0 =	sadd.s32 $0x8, s0;
	v21 =	vld [tilespmem:s1+$0xFFFFFF30]  }
0x5f: {  	p0 =	slt.u32 s0, $0xC0;
	v22 =	vld [tilespmem:s1+$0xFFFFFF60]  }
0x60: {  	v23 =	vld [tilespmem:s1+$0xFFFFFF70]  }
0x61: {  	v24 =	vld [tilespmem:s1+$0xFFFFFFA0]  }
0x62: {  	v7 =	vadd.f32 v18, v7;
	v8 =	vadd.f32 v19, v8;
	v18 =	vld [tilespmem:s1+$0xFFFFFFB0]  }
0x63: {  	v4 =	vadd.f32 v20, v4;
	v5 =	vadd.f32 v21, v5;
	v19 =	vld [tilespmem:s1+$0xFFFFFFE0]  }
0x64: {  	v7 =	vadd.f32 v16, v7;
	v8 =	vadd.f32 v17, v8;
	v16 =	vld [tilespmem:s1+$0xFFFFFFF0]  }
0x65: {  	v4 =	vadd.f32 v22, v4;
	v5 =	vadd.f32 v23, v5;
	v17 =	vld [tilespmem:s1+$0x20]  }
0x66: {  	v7 =	vadd.f32 v14, v7;
	v8 =	vadd.f32 v15, v8;
	v14 =	vld [tilespmem:s1+$0x30]  }
0x67: {  	v15 =	vadd.f32 v24, v4;
	v5 =	vadd.f32 v18, v5;
	v4 =	vld [tilespmem:s1+$0x60]  }
.Ltmp2:
0x68: {  	v18 =	vadd.f32 v6, v7;
	v8 =	vadd.f32 v13, v8;
	v7 =	vld [tilespmem:s1+$0x70];
	(pc) =	sbr.rel @p0 .LBB2_3-.Ltmp2, $4  }
0x69: {  	v13 =	vadd.f32 v19, v15;
	v5 =	vadd.f32 v16, v5;
	v6 =	vld [tilespmem:s1+$0xA0]  }
0x6a: {  	v15 =	vadd.f32 v11, v18;
	v16 =	vadd.f32 v10, v8;
	v8 =	vld [tilespmem:s1+$0xB0]  }
0x6b: {  	v11 =	vadd.f32 v17, v13;
	v10 =	vadd.f32 v14, v5;
	v5 =	vld [tilespmem:s1+$0xE0]  }
0x6c: {  	v13 =	vadd.f32 v12, v15;
	v12 =	vadd.f32 v9, v16;
	v9 =	vld [tilespmem:s1+$0xF0];
	s1 =	sadd.s32 $0x200, s1  }
0x6d: {  	_ = 	snop  }
0x6e: {  	v4 =	vadd.f32 v4, v11;
	v2 =	vadd.f32 v2, v13  }
0x6f: {  	v7 =	vadd.f32 v7, v10;
	v3 =	vadd.f32 v3, v12  }
0x70: {  	s0 =	sshll.u32 s31, $0x8;
	v4 =	vadd.f32 v6, v4;
	v0 =	vadd.f32 v0, v2  }
0x71: {  	p0 =	seq.s32 s31, $0x1F;
	s0 =	sand.u32 $0x3FFFFF00, s0;
	v2 =	vadd.f32 v8, v7;
	v1 =	vadd.f32 v1, v3  }
0x72: {  	s1 =	smul.u32 @!p0 $0xC80, s31;
	v3 =	vadd.f32 v5, v4;
	[tilespmem:s0+$0x12C00] =	vst v0  }
0x73: {  	v0 =	vadd.f32 v9, v2;
	[tilespmem:s0+$0x12C10] =	vst v1  }
0x74: {  	s1 =	sshra.s32 @!p0 s1, $0x2;
	[tilespmem:s0+$0x12C20] =	vst v3  }
0x75: {  	s11 =	simm.s32 @!p0 $0x68;
	s12 =	simm.s32 @!p0 $0x6400;
	s9 =	sadd.s32 @!p0 $0x320, s1;
	[tilespmem:s0+$0x12C30] =	vst v0  }
0x76: {  	[tilespmem:s12], [sflag:$0x1] =	stream.indirect.gather @!p0 [hbm4b:s3+s11], $0x40, s9, s11, $0xb8;
	[tilespmem:$0x14C00] =	vst v63  }
0x77: {  	s9 =	sadd.s32 @!p0 $0x388, s1;
	s11 =	simm.s32 @!p0 $0x60;
	s12 =	simm.s32 @!p0 $0x7E00  }
0x78: {  	[tilespmem:s12], [sflag:$0x1] =	stream.indirect.gather @!p0 [hbm4b:s3+s11], $0x40, s9, s11, $0xb8;
	[tilespmem:$0x14C00] =	vst v63  }
0x79: {  	_ =	swait.ge [sflag:s25], $0x3200  }
0x7a: {  	[sflag:s25] =	ssyncset.done $0x0  }
0x7b: {  	s12 =	simm.s32 $0x97F0;
	[sflag:s25] =	ssyncadd.s32 $0xFFFFCE00  }
0x7c: {  	v0 =	vld [tilespmem:s12+$0xFFFFFFD0]  }
0x7d: {  	v1 =	vld [tilespmem:s12+$0xFFFFFFE0]  }
0x7e: {  	v2 =	vld [tilespmem:s12+$0xFFFFFF90]  }
0x7f: {  	v3 =	vld [tilespmem:s12+$0xFFFFFFA0]  }
0x80: {  	v9 =	vld [tilespmem:s12+$0xFFFFFF50]  }
0x81: {  	v12 =	vld [tilespmem:s12+$0xFFFFFF60]  }
0x82: {  	v7 =	vld [tilespmem:s12+$0xFFFFFF10]  }
0x83: {  	v8 =	vld [tilespmem:s12+$0xFFFFFF20]  }
0x84: {  	v5 =	vld [tilespmem:s12+$0xFFFFFED0]  }
0x85: {  	v6 =	vld [tilespmem:s12+$0xFFFFFEE0]  }
0x86: {  	v4 =	vld [tilespmem:s12+$0xFFFFFE90]  }
0x87: {  	v10 =	vld [tilespmem:s12+$0xFFFFFEA0]  }
0x88: {  	v11 =	vld [tilespmem:s12+$0xFFFFFE50]  }
0x89: {  	v13 =	vld [tilespmem:s12+$0xFFFFFE60]  }
0x8a: {  	v14 =	vld [tilespmem:s12+$0xFFFFFE10]  }
0x8b: {  	v15 =	vld [tilespmem:s12+$0xFFFFFE20]  }
0x8c: {  	v16 =	vld [tilespmem:s12+$0xFFFFFE30]  }
0x8d: {  	v17 =	vld [tilespmem:s12+$0xFFFFFE40]  }
0x8e: {  	v18 =	vld [tilespmem:s12+$0xFFFFFE70]  }
0x8f: {  	v19 =	vld [tilespmem:s12+$0xFFFFFE80]  }
0x90: {  	v20 =	vimm.f32 $0.0e+00;
	v21 =	vld [tilespmem:s12+$0xFFFFFEB0]  }
0x91: {  	v22 =	vld [tilespmem:s12+$0xFFFFFEC0];
	v14 =	vadd.f32 v14, v20;
	v15 =	vadd.f32 v15, v20  }
0x92: {  	v59 =	vld [tilespmem:s12+$0xFFFFFEF0];
	v16 =	vadd.f32 v16, v20;
	v17 =	vadd.f32 v17, v20  }
0x93: {  	v11 =	vadd.f32 v11, v14;
	v13 =	vadd.f32 v13, v15;
	v14 =	vld [tilespmem:s12+$0xFFFFFF00]  }
0x94: {  	v61 =	vld [tilespmem:s12+$0xFFFFFF30];
	v15 =	vadd.f32 v18, v16;
	v60 =	vadd.f32 v19, v17  }
0x95: {  	v11 =	vadd.f32 v4, v11;
	v10 =	vadd.f32 v10, v13;
	v13 =	vld [tilespmem:s12+$0xFFFFFF40]  }
0x96: {  	v15 =	vadd.f32 v21, v15;
	v16 =	vadd.f32 v22, v60;
	v4 =	vld [tilespmem:s12+$0xFFFFFF70]  }
0x97: {  	v11 =	vadd.f32 v5, v11;
	v10 =	vadd.f32 v6, v10;
	v6 =	vld [tilespmem:s12+$0xFFFFFF80]  }
0x98: {  	v15 =	vadd.f32 v59, v15;
	v5 =	vld [tilespmem:s12+$0xFFFFFFB0];
	v14 =	vadd.f32 v14, v16  }
0x99: {  	v62 =	vadd.f32 v7, v11;
	v63 =	vadd.f32 v8, v10;
	v8 =	vld [tilespmem:s12+$0xFFFFFFC0]  }
0x9a: {  	v11 =	vadd.f32 v61, v15;
	v7 =	vld [tilespmem:s12+$0xFFFFFFF0];
	v10 =	vadd.f32 v13, v14  }
0x9b: {  	s9 =	simm.s32 $0x0;
	s11 =	simm.s32 $0x99F0;
	v13 =	vadd.f32 v9, v62;
	v12 =	vadd.f32 v12, v63;
	v9 =	vld [tilespmem:s12+$0x0]  }
.LBB2_5:
0x9c: {  	v14 =	vld [tilespmem:s11+$0xFFFFFFD0];
	v4 =	vadd.f32 v4, v11;
	v6 =	vadd.f32 v6, v10  }
0x9d: {  	v10 =	vld [tilespmem:s11+$0xFFFFFFE0];
	v11 =	vadd.f32 v2, v13;
	v12 =	vadd.f32 v3, v12  }
0x9e: {  	v2 =	vld [tilespmem:s11+$0xFFFFFF90];
	v4 =	vadd.f32 v5, v4;
	v5 =	vadd.f32 v8, v6  }
0x9f: {  	v3 =	vld [tilespmem:s11+$0xFFFFFFA0];
	v6 =	vadd.f32 v0, v11;
	v8 =	vadd.f32 v1, v12  }
0xa0: {  	v12 =	vld [tilespmem:s11+$0xFFFFFF50];
	v4 =	vadd.f32 v7, v4;
	v5 =	vadd.f32 v9, v5  }
0xa1: {  	v9 =	vld [tilespmem:s11+$0xFFFFFF60];
	v0 =	vmov v14  }
0xa2: {  	v7 =	vld [tilespmem:s11+$0xFFFFFF10];
	v1 =	vmov v10  }
0xa3: {  	v10 =	vld [tilespmem:s11+$0xFFFFFF20]  }
0xa4: {  	v11 =	vld [tilespmem:s11+$0xFFFFFED0]  }
0xa5: {  	v13 =	vld [tilespmem:s11+$0xFFFFFEE0]  }
0xa6: {  	v14 =	vld [tilespmem:s11+$0xFFFFFE90]  }
0xa7: {  	v15 =	vld [tilespmem:s11+$0xFFFFFEA0]  }
0xa8: {  	v16 =	vld [tilespmem:s11+$0xFFFFFE50]  }
0xa9: {  	v17 =	vld [tilespmem:s11+$0xFFFFFE60]  }
0xaa: {  	v18 =	vld [tilespmem:s11+$0xFFFFFE10]  }
0xab: {  	v19 =	vld [tilespmem:s11+$0xFFFFFE20]  }
0xac: {  	v20 =	vld [tilespmem:s11+$0xFFFFFE30]  }
0xad: {  	s9 =	sadd.s32 $0x8, s9;
	v21 =	vld [tilespmem:s11+$0xFFFFFE40]  }
0xae: {  	p1 =	slt.u32 s9, $0xC0;
	v22 =	vld [tilespmem:s11+$0xFFFFFE70]  }
0xaf: {  	v23 =	vld [tilespmem:s11+$0xFFFFFE80]  }
0xb0: {  	v24 =	vld [tilespmem:s11+$0xFFFFFEB0]  }
0xb1: {  	v6 =	vadd.f32 v18, v6;
	v8 =	vadd.f32 v19, v8;
	v18 =	vld [tilespmem:s11+$0xFFFFFEC0]  }
0xb2: {  	v4 =	vadd.f32 v20, v4;
	v5 =	vadd.f32 v21, v5;
	v19 =	vld [tilespmem:s11+$0xFFFFFEF0]  }
0xb3: {  	v6 =	vadd.f32 v16, v6;
	v8 =	vadd.f32 v17, v8;
	v16 =	vld [tilespmem:s11+$0xFFFFFF00]  }
0xb4: {  	v4 =	vadd.f32 v22, v4;
	v5 =	vadd.f32 v23, v5;
	v17 =	vld [tilespmem:s11+$0xFFFFFF30]  }
0xb5: {  	v6 =	vadd.f32 v14, v6;
	v8 =	vadd.f32 v15, v8;
	v14 =	vld [tilespmem:s11+$0xFFFFFF40]  }
0xb6: {  	v15 =	vadd.f32 v24, v4;
	v5 =	vadd.f32 v18, v5;
	v4 =	vld [tilespmem:s11+$0xFFFFFF70]  }
.Ltmp3:
0xb7: {  	v11 =	vadd.f32 v11, v6;
	v8 =	vadd.f32 v13, v8;
	v6 =	vld [tilespmem:s11+$0xFFFFFF80];
	(pc) =	sbr.rel @p1 .LBB2_5-.Ltmp3, $4  }
0xb8: {  	v13 =	vadd.f32 v19, v15;
	v15 =	vadd.f32 v16, v5;
	v5 =	vld [tilespmem:s11+$0xFFFFFFB0]  }
0xb9: {  	v16 =	vadd.f32 v7, v11;
	v18 =	vadd.f32 v10, v8;
	v8 =	vld [tilespmem:s11+$0xFFFFFFC0]  }
0xba: {  	v11 =	vadd.f32 v17, v13;
	v10 =	vadd.f32 v14, v15;
	v7 =	vld [tilespmem:s11+$0xFFFFFFF0]  }
0xbb: {  	v13 =	vadd.f32 v12, v16;
	v12 =	vadd.f32 v9, v18;
	v9 =	vld [tilespmem:s11+$0x0];
	s11 =	sadd.s32 $0x200, s11  }
0xbc: {  	_ = 	snop  }
0xbd: {  	v4 =	vadd.f32 v4, v11;
	v2 =	vadd.f32 v2, v13  }
0xbe: {  	v6 =	vadd.f32 v6, v10;
	v3 =	vadd.f32 v3, v12  }
0xbf: {  	v4 =	vadd.f32 v5, v4;
	v0 =	vadd.f32 v0, v2  }
0xc0: {  	v2 =	vadd.f32 v8, v6;
	v1 =	vadd.f32 v1, v3  }
0xc1: {  	v3 =	vadd.f32 v7, v4;
	[tilespmem:s0+$0x12C40] =	vst v0  }
0xc2: {  	v0 =	vadd.f32 v9, v2;
	[tilespmem:s0+$0x12C50] =	vst v1  }
0xc3: {  	[tilespmem:s0+$0x12C60] =	vst v3  }
0xc4: {  	s9 =	sadd.s32 @!p0 $0x3E8, s1;
	s11 =	simm.s32 @!p0 $0x68;
	s12 =	simm.s32 @!p0 $0x9600;
	[tilespmem:s0+$0x12C70] =	vst v0  }
0xc5: {  	[tilespmem:s12], [sflag:$0x2] =	stream.indirect.gather @!p0 [hbm4b:s3+s11], $0x40, s9, s11, $0xb8;
	[tilespmem:$0x14C00] =	vst v63  }
0xc6: {  	s9 =	sadd.s32 @!p0 $0x450, s1;
	s11 =	simm.s32 @!p0 $0x60;
	s12 =	simm.s32 @!p0 $0xB000  }
0xc7: {  	[tilespmem:s12], [sflag:$0x2] =	stream.indirect.gather @!p0 [hbm4b:s3+s11], $0x40, s9, s11, $0xb8;
	[tilespmem:$0x14C00] =	vst v63  }
0xc8: {  	_ =	swait.ge [sflag:s26], $0x3200  }
0xc9: {  	[sflag:s26] =	ssyncset.done $0x0  }
0xca: {  	s12 =	simm.s32 $0xC800;
	[sflag:s26] =	ssyncadd.s32 $0xFFFFCE00  }
0xcb: {  	v0 =	vld [tilespmem:s12+$0x1C0]  }
0xcc: {  	v1 =	vld [tilespmem:s12+$0x1D0]  }
0xcd: {  	v2 =	vld [tilespmem:s12+$0x180]  }
0xce: {  	v3 =	vld [tilespmem:s12+$0x190]  }
0xcf: {  	v9 =	vld [tilespmem:s12+$0x140]  }
0xd0: {  	v12 =	vld [tilespmem:s12+$0x150]  }
0xd1: {  	v7 =	vld [tilespmem:s12+$0x100]  }
0xd2: {  	v8 =	vld [tilespmem:s12+$0x110]  }
0xd3: {  	v5 =	vld [tilespmem:s12+$0xC0]  }
0xd4: {  	v6 =	vld [tilespmem:s12+$0xD0]  }
0xd5: {  	v4 =	vld [tilespmem:s12+$0x80]  }
0xd6: {  	v10 =	vld [tilespmem:s12+$0x90]  }
0xd7: {  	v11 =	vld [tilespmem:s12+$0x40]  }
0xd8: {  	v13 =	vld [tilespmem:s12+$0x50]  }
0xd9: {  	v14 =	vld [tilespmem:s12+$0x0]  }
0xda: {  	v15 =	vld [tilespmem:s12+$0x10]  }
0xdb: {  	v16 =	vld [tilespmem:s12+$0x20]  }
0xdc: {  	v17 =	vld [tilespmem:s12+$0x30]  }
0xdd: {  	v18 =	vld [tilespmem:s12+$0x60]  }
0xde: {  	v19 =	vld [tilespmem:s12+$0x70]  }
0xdf: {  	v20 =	vimm.f32 $0.0e+00;
	v21 =	vld [tilespmem:s12+$0xA0]  }
0xe0: {  	v22 =	vld [tilespmem:s12+$0xB0];
	v14 =	vadd.f32 v14, v20;
	v15 =	vadd.f32 v15, v20  }
0xe1: {  	v59 =	vld [tilespmem:s12+$0xE0];
	v16 =	vadd.f32 v16, v20;
	v17 =	vadd.f32 v17, v20  }
0xe2: {  	v11 =	vadd.f32 v11, v14;
	v13 =	vadd.f32 v13, v15;
	v14 =	vld [tilespmem:s12+$0xF0]  }
0xe3: {  	v61 =	vld [tilespmem:s12+$0x120];
	v15 =	vadd.f32 v18, v16;
	v60 =	vadd.f32 v19, v17  }
0xe4: {  	v11 =	vadd.f32 v4, v11;
	v10 =	vadd.f32 v10, v13;
	v13 =	vld [tilespmem:s12+$0x130]  }
0xe5: {  	v15 =	vadd.f32 v21, v15;
	v16 =	vadd.f32 v22, v60;
	v4 =	vld [tilespmem:s12+$0x160]  }
0xe6: {  	v11 =	vadd.f32 v5, v11;
	v10 =	vadd.f32 v6, v10;
	v6 =	vld [tilespmem:s12+$0x170]  }
0xe7: {  	v15 =	vadd.f32 v59, v15;
	v5 =	vld [tilespmem:s12+$0x1A0];
	v14 =	vadd.f32 v14, v16  }
0xe8: {  	v62 =	vadd.f32 v7, v11;
	v63 =	vadd.f32 v8, v10;
	v8 =	vld [tilespmem:s12+$0x1B0]  }
0xe9: {  	v11 =	vadd.f32 v61, v15;
	v7 =	vld [tilespmem:s12+$0x1E0];
	v10 =	vadd.f32 v13, v14  }
0xea: {  	s9 =	simm.s32 $0x0;
	s11 =	simm.s32 $0xCA00;
	v13 =	vadd.f32 v9, v62;
	v12 =	vadd.f32 v12, v63;
	v9 =	vld [tilespmem:s12+$0x1F0]  }
.LBB2_7:
0xeb: {  	v14 =	vld [tilespmem:s11+$0x1C0];
	v4 =	vadd.f32 v4, v11;
	v6 =	vadd.f32 v6, v10  }
0xec: {  	v10 =	vld [tilespmem:s11+$0x1D0];
	v11 =	vadd.f32 v2, v13;
	v12 =	vadd.f32 v3, v12  }
0xed: {  	v2 =	vld [tilespmem:s11+$0x180];
	v4 =	vadd.f32 v5, v4;
	v5 =	vadd.f32 v8, v6  }
0xee: {  	v3 =	vld [tilespmem:s11+$0x190];
	v6 =	vadd.f32 v0, v11;
	v8 =	vadd.f32 v1, v12  }
0xef: {  	v12 =	vld [tilespmem:s11+$0x140];
	v4 =	vadd.f32 v7, v4;
	v5 =	vadd.f32 v9, v5  }
0xf0: {  	v9 =	vld [tilespmem:s11+$0x150];
	v0 =	vmov v14  }
0xf1: {  	v7 =	vld [tilespmem:s11+$0x100];
	v1 =	vmov v10  }
0xf2: {  	v10 =	vld [tilespmem:s11+$0x110]  }
0xf3: {  	v11 =	vld [tilespmem:s11+$0xC0]  }
0xf4: {  	v13 =	vld [tilespmem:s11+$0xD0]  }
0xf5: {  	v14 =	vld [tilespmem:s11+$0x80]  }
0xf6: {  	v15 =	vld [tilespmem:s11+$0x90]  }
0xf7: {  	v16 =	vld [tilespmem:s11+$0x40]  }
0xf8: {  	v17 =	vld [tilespmem:s11+$0x50]  }
0xf9: {  	v18 =	vld [tilespmem:s11+$0x0]  }
0xfa: {  	v19 =	vld [tilespmem:s11+$0x10]  }
0xfb: {  	v20 =	vld [tilespmem:s11+$0x20]  }
0xfc: {  	s9 =	sadd.s32 $0x8, s9;
	v21 =	vld [tilespmem:s11+$0x30]  }
0xfd: {  	p1 =	slt.u32 s9, $0xC0;
	v22 =	vld [tilespmem:s11+$0x60]  }
0xfe: {  	v23 =	vld [tilespmem:s11+$0x70]  }
0xff: {  	v24 =	vld [tilespmem:s11+$0xA0]  }
0x100: {  	v6 =	vadd.f32 v18, v6;
	v8 =	vadd.f32 v19, v8;
	v18 =	vld [tilespmem:s11+$0xB0]  }
0x101: {  	v4 =	vadd.f32 v20, v4;
	v5 =	vadd.f32 v21, v5;
	v19 =	vld [tilespmem:s11+$0xE0]  }
0x102: {  	v6 =	vadd.f32 v16, v6;
	v8 =	vadd.f32 v17, v8;
	v16 =	vld [tilespmem:s11+$0xF0]  }
0x103: {  	v4 =	vadd.f32 v22, v4;
	v5 =	vadd.f32 v23, v5;
	v17 =	vld [tilespmem:s11+$0x120]  }
0x104: {  	v6 =	vadd.f32 v14, v6;
	v8 =	vadd.f32 v15, v8;
	v14 =	vld [tilespmem:s11+$0x130]  }
0x105: {  	v15 =	vadd.f32 v24, v4;
	v5 =	vadd.f32 v18, v5;
	v4 =	vld [tilespmem:s11+$0x160]  }
.Ltmp4:
0x106: {  	v11 =	vadd.f32 v11, v6;
	v8 =	vadd.f32 v13, v8;
	v6 =	vld [tilespmem:s11+$0x170];
	(pc) =	sbr.rel @p1 .LBB2_7-.Ltmp4, $4  }
0x107: {  	v13 =	vadd.f32 v19, v15;
	v15 =	vadd.f32 v16, v5;
	v5 =	vld [tilespmem:s11+$0x1A0]  }
0x108: {  	v16 =	vadd.f32 v7, v11;
	v18 =	vadd.f32 v10, v8;
	v8 =	vld [tilespmem:s11+$0x1B0]  }
0x109: {  	v11 =	vadd.f32 v17, v13;
	v10 =	vadd.f32 v14, v15;
	v7 =	vld [tilespmem:s11+$0x1E0]  }
0x10a: {  	v13 =	vadd.f32 v12, v16;
	v12 =	vadd.f32 v9, v18;
	v9 =	vld [tilespmem:s11+$0x1F0];
	s11 =	sadd.s32 $0x200, s11  }
0x10b: {  	_ = 	snop  }
0x10c: {  	v4 =	vadd.f32 v4, v11;
	v2 =	vadd.f32 v2, v13  }
0x10d: {  	v6 =	vadd.f32 v6, v10;
	v3 =	vadd.f32 v3, v12  }
0x10e: {  	v4 =	vadd.f32 v5, v4;
	v0 =	vadd.f32 v0, v2  }
0x10f: {  	v2 =	vadd.f32 v8, v6;
	v1 =	vadd.f32 v1, v3  }
0x110: {  	v3 =	vadd.f32 v7, v4;
	[tilespmem:s0+$0x12C80] =	vst v0  }
0x111: {  	v0 =	vadd.f32 v9, v2;
	[tilespmem:s0+$0x12C90] =	vst v1  }
0x112: {  	[tilespmem:s0+$0x12CA0] =	vst v3  }
0x113: {  	s9 =	sadd.s32 @!p0 $0x4B0, s1;
	s11 =	simm.s32 @!p0 $0x68;
	s12 =	simm.s32 @!p0 $0xC800;
	[tilespmem:s0+$0x12CB0] =	vst v0  }
0x114: {  	[tilespmem:s12], [sflag:$0x3] =	stream.indirect.gather @!p0 [hbm4b:s3+s11], $0x40, s9, s11, $0xb8;
	[tilespmem:$0x14C00] =	vst v63  }
0x115: {  	s1 =	sadd.s32 @!p0 $0x518, s1;
	s9 =	simm.s32 @!p0 $0x60;
	s11 =	simm.s32 @!p0 $0xE200  }
0x116: {  	[tilespmem:s11], [sflag:$0x3] =	stream.indirect.gather @!p0 [hbm4b:s3+s9], $0x40, s1, s9, $0xb8;
	[tilespmem:$0x14C00] =	vst v63  }
0x117: {  	_ =	swait.ge [sflag:s28], $0x3200  }
0x118: {  	[sflag:s28] =	ssyncset.done $0x0  }
0x119: {  	s12 =	simm.s32 $0xFA00;
	[sflag:s28] =	ssyncadd.s32 $0xFFFFCE00  }
0x11a: {  	v0 =	vld [tilespmem:s12+$0x1C0]  }
0x11b: {  	v1 =	vld [tilespmem:s12+$0x1D0]  }
0x11c: {  	v2 =	vld [tilespmem:s12+$0x180]  }
0x11d: {  	v3 =	vld [tilespmem:s12+$0x190]  }
0x11e: {  	v9 =	vld [tilespmem:s12+$0x140]  }
0x11f: {  	v12 =	vld [tilespmem:s12+$0x150]  }
0x120: {  	v7 =	vld [tilespmem:s12+$0x100]  }
0x121: {  	v8 =	vld [tilespmem:s12+$0x110]  }
0x122: {  	v5 =	vld [tilespmem:s12+$0xC0]  }
0x123: {  	v6 =	vld [tilespmem:s12+$0xD0]  }
0x124: {  	v4 =	vld [tilespmem:s12+$0x80]  }
0x125: {  	v10 =	vld [tilespmem:s12+$0x90]  }
0x126: {  	v11 =	vld [tilespmem:s12+$0x40]  }
0x127: {  	v13 =	vld [tilespmem:s12+$0x50]  }
0x128: {  	v14 =	vld [tilespmem:s12+$0x0]  }
0x129: {  	v15 =	vld [tilespmem:s12+$0x10]  }
0x12a: {  	v16 =	vld [tilespmem:s12+$0x20]  }
0x12b: {  	v17 =	vld [tilespmem:s12+$0x30]  }
0x12c: {  	v18 =	vld [tilespmem:s12+$0x60]  }
0x12d: {  	v19 =	vld [tilespmem:s12+$0x70]  }
0x12e: {  	v20 =	vimm.f32 $0.0e+00;
	v21 =	vld [tilespmem:s12+$0xA0]  }
0x12f: {  	v22 =	vld [tilespmem:s12+$0xB0];
	v14 =	vadd.f32 v14, v20;
	v15 =	vadd.f32 v15, v20  }
0x130: {  	v59 =	vld [tilespmem:s12+$0xE0];
	v16 =	vadd.f32 v16, v20;
	v17 =	vadd.f32 v17, v20  }
0x131: {  	v11 =	vadd.f32 v11, v14;
	v13 =	vadd.f32 v13, v15;
	v14 =	vld [tilespmem:s12+$0xF0]  }
0x132: {  	v61 =	vld [tilespmem:s12+$0x120];
	v15 =	vadd.f32 v18, v16;
	v60 =	vadd.f32 v19, v17  }
0x133: {  	v11 =	vadd.f32 v4, v11;
	v10 =	vadd.f32 v10, v13;
	v13 =	vld [tilespmem:s12+$0x130]  }
0x134: {  	v15 =	vadd.f32 v21, v15;
	v16 =	vadd.f32 v22, v60;
	v4 =	vld [tilespmem:s12+$0x160]  }
0x135: {  	v11 =	vadd.f32 v5, v11;
	v10 =	vadd.f32 v6, v10;
	v6 =	vld [tilespmem:s12+$0x170]  }
0x136: {  	v15 =	vadd.f32 v59, v15;
	v5 =	vld [tilespmem:s12+$0x1A0];
	v14 =	vadd.f32 v14, v16  }
0x137: {  	v62 =	vadd.f32 v7, v11;
	v63 =	vadd.f32 v8, v10;
	v8 =	vld [tilespmem:s12+$0x1B0]  }
0x138: {  	v11 =	vadd.f32 v61, v15;
	v7 =	vld [tilespmem:s12+$0x1E0];
	v10 =	vadd.f32 v13, v14  }
0x139: {  	s1 =	simm.s32 $0x0;
	s9 =	simm.s32 $0xFC00;
	v13 =	vadd.f32 v9, v62;
	v12 =	vadd.f32 v12, v63;
	v9 =	vld [tilespmem:s12+$0x1F0]  }
.LBB2_9:
0x13a: {  	v14 =	vld [tilespmem:s9+$0x1C0];
	v4 =	vadd.f32 v4, v11;
	v6 =	vadd.f32 v6, v10  }
0x13b: {  	v10 =	vld [tilespmem:s9+$0x1D0];
	v11 =	vadd.f32 v2, v13;
	v12 =	vadd.f32 v3, v12  }
0x13c: {  	v2 =	vld [tilespmem:s9+$0x180];
	v4 =	vadd.f32 v5, v4;
	v5 =	vadd.f32 v8, v6  }
0x13d: {  	v3 =	vld [tilespmem:s9+$0x190];
	v6 =	vadd.f32 v0, v11;
	v8 =	vadd.f32 v1, v12  }
0x13e: {  	v12 =	vld [tilespmem:s9+$0x140];
	v4 =	vadd.f32 v7, v4;
	v5 =	vadd.f32 v9, v5  }
0x13f: {  	v9 =	vld [tilespmem:s9+$0x150];
	v0 =	vmov v14  }
0x140: {  	v7 =	vld [tilespmem:s9+$0x100];
	v1 =	vmov v10  }
0x141: {  	v10 =	vld [tilespmem:s9+$0x110]  }
0x142: {  	v11 =	vld [tilespmem:s9+$0xC0]  }
0x143: {  	v13 =	vld [tilespmem:s9+$0xD0]  }
0x144: {  	v14 =	vld [tilespmem:s9+$0x80]  }
0x145: {  	v15 =	vld [tilespmem:s9+$0x90]  }
0x146: {  	v16 =	vld [tilespmem:s9+$0x40]  }
0x147: {  	v17 =	vld [tilespmem:s9+$0x50]  }
0x148: {  	v18 =	vld [tilespmem:s9+$0x0]  }
0x149: {  	v19 =	vld [tilespmem:s9+$0x10]  }
0x14a: {  	v20 =	vld [tilespmem:s9+$0x20]  }
0x14b: {  	s1 =	sadd.s32 $0x8, s1;
	v21 =	vld [tilespmem:s9+$0x30]  }
0x14c: {  	p1 =	slt.u32 s1, $0xC0;
	v22 =	vld [tilespmem:s9+$0x60]  }
0x14d: {  	v23 =	vld [tilespmem:s9+$0x70]  }
0x14e: {  	v24 =	vld [tilespmem:s9+$0xA0]  }
0x14f: {  	v6 =	vadd.f32 v18, v6;
	v8 =	vadd.f32 v19, v8;
	v18 =	vld [tilespmem:s9+$0xB0]  }
0x150: {  	v4 =	vadd.f32 v20, v4;
	v5 =	vadd.f32 v21, v5;
	v19 =	vld [tilespmem:s9+$0xE0]  }
0x151: {  	v6 =	vadd.f32 v16, v6;
	v8 =	vadd.f32 v17, v8;
	v16 =	vld [tilespmem:s9+$0xF0]  }
0x152: {  	v4 =	vadd.f32 v22, v4;
	v5 =	vadd.f32 v23, v5;
	v17 =	vld [tilespmem:s9+$0x120]  }
0x153: {  	v6 =	vadd.f32 v14, v6;
	v8 =	vadd.f32 v15, v8;
	v14 =	vld [tilespmem:s9+$0x130]  }
0x154: {  	v15 =	vadd.f32 v24, v4;
	v5 =	vadd.f32 v18, v5;
	v4 =	vld [tilespmem:s9+$0x160]  }
.Ltmp5:
0x155: {  	v11 =	vadd.f32 v11, v6;
	v8 =	vadd.f32 v13, v8;
	v6 =	vld [tilespmem:s9+$0x170];
	(pc) =	sbr.rel @p1 .LBB2_9-.Ltmp5, $4  }
0x156: {  	v13 =	vadd.f32 v19, v15;
	v15 =	vadd.f32 v16, v5;
	v5 =	vld [tilespmem:s9+$0x1A0]  }
0x157: {  	v16 =	vadd.f32 v7, v11;
	v18 =	vadd.f32 v10, v8;
	v8 =	vld [tilespmem:s9+$0x1B0]  }
0x158: {  	v11 =	vadd.f32 v17, v13;
	v10 =	vadd.f32 v14, v15;
	v7 =	vld [tilespmem:s9+$0x1E0]  }
0x159: {  	v13 =	vadd.f32 v12, v16;
	v12 =	vadd.f32 v9, v18;
	v9 =	vld [tilespmem:s9+$0x1F0];
	s9 =	sadd.s32 $0x200, s9  }
0x15a: {  	_ = 	snop  }
0x15b: {  	v4 =	vadd.f32 v4, v11;
	v2 =	vadd.f32 v2, v13  }
0x15c: {  	v6 =	vadd.f32 v6, v10;
	v3 =	vadd.f32 v3, v12  }
0x15d: {  	v4 =	vadd.f32 v5, v4;
	v0 =	vadd.f32 v0, v2  }
.Ltmp6:
0x15e: {  	v61 =	vadd.f32 v8, v6;
	v1 =	vadd.f32 v1, v3;
	(pc) =	sbr.rel @p0 .LBB2_12-.Ltmp6, $4  }
0x15f: {  	v62 =	vadd.f32 v7, v4;
	[tilespmem:s0+$0x12CC0] =	vst v0  }
0x160: {  	v63 =	vadd.f32 v9, v61;
	[tilespmem:s0+$0x12CD0] =	vst v1  }
0x161: {  	[tilespmem:s0+$0x12CE0] =	vst v62  }
0x162: {  	[tilespmem:s0+$0x12CF0] =	vst v63  }
0x163: {  	s0 =	smul.u32 $0xC80, s31;
	_ =	sdelay $0x1  }
.Ltmp7:
0x164: {  	s0 =	sshra.s32 s0, $0x2;
	(pc) =	sbr.rel .LBB2_2-.Ltmp7, $4  }
0x165: {  	s1 =	sadd.s32 $0x578, s0  }
0x166: {  	[tilespmem:s21], [sflag:$0x4] =	stream.indirect.gather [hbm4b:s3+s8], $0x40, s1, s8, $0xb8;
	[tilespmem:$0x14C00] =	vst v63  }
0x167: {  	s31 =	sadd.s32 $0x1, s31;
	s0 =	sadd.s32 $0x5E0, s0  }
0x168: {  	[tilespmem:s23], [sflag:$0x4] =	stream.indirect.gather [hbm4b:s3+s10], $0x40, s0, s10, $0xb8;
	[tilespmem:$0x14C00] =	vst v63  }
.LBB2_13:
0x169: {  	_ =	sfence.sel $0x180000  }
0x16a: {  	[bflag:$0x0] =	sbarrier.arrive $0xFFFF  }
0x16b: {  	_ =	strace $0x90000047  }
0x16c: {  	s0 =	stileid.u32;
	[bflag:$0x2] =	sbarrier.arrive $0xFFFF  }
0x16d: {  	p0 =	sne.s32 s0, $0x0;
	s0 =	rddreg [dreg:$0x1]  }
0x16e: {  	s0 =	sadd.s32 @!p0 $0x100000, s0  }
0x16f: {  	[sflag:s0] =	ssyncadd.tile.s32 @!p0 $0x1;
	_ =	shalt  }
.Lfunc_end2:
_tile_overlayer_lowered:
.L_overlay_start_2:
0x170: {  	(tag) =	ssettag $0x2  }
0x171: {  	s0 =	rddreg [dreg:$0x0];
	s2 =	stileid.u32  }
0x172: {  	s1 =	rddreg [dreg:$0x1];
	p0 =	sne.s32 s2, $0x0  }
0x173: {  	s3 =	rddreg [dreg:$0x2];
	[bflag:$0x3] =	sbarrier.arrive $0xFFFF;
	s2 =	simm.s32 @!p0 $0x1C05  }
0x174: {  	[timem:s3], [sflag:s2] =	dma.local @!p0 [hbm:s0], s1  }
0x175: {  	s0 =	simm.s32 @!p0 $0x5  }
0x176: {  	_ =	swait.ge @!p0 [sflag:s0], s1  }
0x177: {  	s1 =	ssub.s32 @!p0 $0x0, s1;
	[sflag:s0] =	ssyncset.done @!p0 $0x0  }
0x178: {  	[sflag:s0] =	ssyncadd.s32 @!p0 s1  }
0x179: {  	[bflag:$0x3] =	sbarrier.arrive $0xFFFF  }
0x17a: {  	_ =	shalt  }

</sc_bundles>
